<compile_context>
chip_gen: v7x
topology: tpu7x:2x2x1
jax: 0.10.2.dev20260603
libtpu: 0.0.44.dev20260713+nightly
codegen_flags: <defaults>
</compile_context>

<pallas_src>
import functools

import jax
import jax.numpy as jnp
from jax import lax
from jax.experimental import pallas as pl
from jax.experimental.pallas import tpu as pltpu
from jax.experimental.pallas import tpu_sc as plsc

N = 10000
E = 320000
EH = E // 2
D = 128
H = 256
DW = D // 2


_NW = 32
_EPW = E // _NW
_CH = 80
_NCH = _EPW // _CH


def _sc_gather_build():
    mesh = plsc.VectorSubcoreMesh(core_axis_name="c", subcore_axis_name="s")

    @functools.partial(
        pl.kernel,
        mesh=mesh,
        out_type=[
            jax.ShapeDtypeStruct((EH, D), jnp.float32),
            jax.ShapeDtypeStruct((EH, D), jnp.float32),
        ],
        compiler_params=pltpu.CompilerParams(use_tc_tiling_on_sc=False),
        scratch_types=[
            pltpu.VMEM((_EPW,), jnp.int32),
            pltpu.VMEM((_EPW,), jnp.int32),
            pltpu.VMEM((3, _CH, DW), jnp.float32),
            pltpu.VMEM((3, _CH, DW), jnp.float32),
            pltpu.SemaphoreType.DMA,
            pltpu.SemaphoreType.DMA,
            pltpu.SemaphoreType.DMA,
            pltpu.SemaphoreType.DMA,
        ],
    )
    def sc_gather(nf_hbm, src_hbm, dst_hbm, out_s_hbm, out_d_hbm,
                  idx_s, idx_d, rows_s, rows_d,
                  sem_si, sem_di, sem_so, sem_do):
        wid = lax.axis_index("s") * 2 + lax.axis_index("c")
        base = wid * _EPW
        hi = (wid >= 16).astype(jnp.int32)
        row_base = base - hi * EH
        col = hi * DW
        pltpu.sync_copy(src_hbm.at[pl.ds(base, _EPW)], idx_s)
        pltpu.sync_copy(dst_hbm.at[pl.ds(base, _EPW)], idx_d)

        def fire_in(j):
            off = j * _CH
            slot = lax.rem(j, 3)
            pltpu.async_copy(nf_hbm.at[idx_s.at[pl.ds(off, _CH)]],
                             rows_s.at[slot], sem_si)
            pltpu.async_copy(nf_hbm.at[idx_d.at[pl.ds(off, _CH)]],
                             rows_d.at[slot], sem_di)

        def wait_in(j):
            off = j * _CH
            slot = lax.rem(j, 3)
            pltpu.make_async_copy(nf_hbm.at[idx_s.at[pl.ds(off, _CH)]],
                                  rows_s.at[slot], sem_si).wait()
            pltpu.make_async_copy(nf_hbm.at[idx_d.at[pl.ds(off, _CH)]],
                                  rows_d.at[slot], sem_di).wait()

        def _out_slc(hbm, j):
            off = j * _CH
            return hbm.at[pl.ds(row_base + off, _CH), pl.ds(col, DW)]

        def fire_out(j):
            slot = lax.rem(j, 3)
            pltpu.async_copy(rows_s.at[slot], _out_slc(out_s_hbm, j), sem_so)
            pltpu.async_copy(rows_d.at[slot], _out_slc(out_d_hbm, j), sem_do)

        def wait_out(j):
            slot = lax.rem(j, 3)
            pltpu.make_async_copy(rows_s.at[slot], _out_slc(out_s_hbm, j),
                                  sem_so).wait()
            pltpu.make_async_copy(rows_d.at[slot], _out_slc(out_d_hbm, j),
                                  sem_do).wait()

        fire_in(0)
        fire_in(1)

        def body(j, carry):
            wait_in(j)
            fire_out(j)

            @pl.when(j + 2 < _NCH)
            def _():
                @pl.when(j >= 1)
                def _():
                    wait_out(j - 1)

                fire_in(j + 2)

            return carry

        lax.fori_loop(0, _NCH, body, 0)
        wait_out(_NCH - 2)
        wait_out(_NCH - 1)

    return sc_gather



_BM = 4000
_NB = EH // _BM


def _unpack(w_f32):
    w = lax.bitcast_convert_type(w_f32, jnp.int32)
    lo = lax.bitcast_convert_type(w << 16, jnp.float32)
    hi = lax.bitcast_convert_type(
        jnp.bitwise_and(w, jnp.int32(-65536)), jnp.float32)
    return lo.astype(jnp.bfloat16), hi.astype(jnp.bfloat16)


def _mlp_body(ef_ref, gs_ref, gd_ref, wa_ref, wb_ref, b1_ref,
              w2t_ref, b2_ref, gamma_ref, beta_ref, out_ref):
    s_lo, s_hi = _unpack(gs_ref[...])
    d_lo, d_hi = _unpack(gd_ref[...])
    zs = jnp.concatenate([s_lo, s_hi, d_lo, d_hi], axis=-1)

    def half(q, efq):
        x = jnp.concatenate([efq.astype(jnp.bfloat16), zs], axis=-1)
        w = wa_ref[...] if q == 0 else wb_ref[...]
        hh = jnp.dot(x, w, preferred_element_type=jnp.float32)
        hh += b1_ref[...]
        hh = hh * (1.0 + jnp.tanh(hh))
        y = jnp.dot(hh.astype(jnp.bfloat16), w2t_ref[...],
                    preferred_element_type=jnp.float32)
        y += b2_ref[...]
        mu = jnp.mean(y, axis=-1, keepdims=True)
        d = y - mu
        var = jnp.mean(d * d, axis=-1, keepdims=True)
        out_ref[q] = d * lax.rsqrt(var + 1e-5) + efq

    half(0, ef_ref[0])
    half(1, ef_ref[1])


def _mlp_call(ef3, gs, gd, WA, WB, b1, W2T, b2, gamma, beta,
              interpret=False):
    grid = (_NB,)
    e3 = pl.BlockSpec((2, _BM, D), lambda i: (0, i, 0))
    gb = pl.BlockSpec((_BM, D), lambda i: (i, 0))
    full = lambda shape: pl.BlockSpec(shape, lambda i: tuple(0 for _ in shape))
    return pl.pallas_call(
        _mlp_body,
        grid=grid,
        in_specs=[
            e3, gb, gb,
            full((5 * D, H)), full((5 * D, H)), full((1, H)),
            full((H, D)), full((1, D)), full((1, D)), full((1, D)),
        ],
        out_specs=e3,
        out_shape=jax.ShapeDtypeStruct((2, EH, D), jnp.float32),
        interpret=interpret,
    )(ef3, gs, gd, WA, WB, b1, W2T, b2, gamma, beta)


def kernel(edge_feats, node_feats, edge_index, We, Ws, Wd, b1, W2, b2,
           gamma, beta):
    src = edge_index[0].astype(jnp.int32)
    dst = edge_index[1].astype(jnp.int32)
    nf_pk = lax.bitcast_convert_type(
        node_feats.astype(jnp.bfloat16).reshape(N, DW, 2), jnp.float32)
    gs, gd = _sc_gather_build()(nf_pk, src, dst)
    WsT = Ws.T.astype(jnp.bfloat16)
    WdT = Wd.T.astype(jnp.bfloat16)
    z = jnp.zeros((DW, H), jnp.bfloat16)

    def wgroup(a_first):
        blocks = [We.T.astype(jnp.bfloat16)]
        for wt in (WsT, WdT):
            for part in (wt[0::2], wt[1::2]):
                blocks.extend([part, z] if a_first else [z, part])
        return 0.5 * jnp.concatenate(blocks, axis=0)

    WA = wgroup(True)
    WB = wgroup(False)
    out3 = _mlp_call(
        edge_feats.reshape(2, EH, D), gs, gd,
        WA, WB, (0.5 * b1).reshape(1, H),
        W2.T.astype(jnp.bfloat16), b2.reshape(1, D),
        gamma.reshape(1, D), beta.reshape(1, D),
    )
    return (out3.reshape(E, D), node_feats)

# --- scband reference (transcript-rebuilt; emitter-appended) ---
"""Pipeline reference for scband-mesh-edge-block-70394513981947 (READ-ONLY COPY).

The authoritative reference and input builder live on the scoring server;
editing this copy changes nothing except your own understanding.
"""

import jax, jax.numpy as jnp
import numpy as np

N = 10000
E = 320000
D_NODE = 128
D_EDGE = 128
HIDDEN = 256
OUT = 128


def _layer_norm(x, gamma, beta, eps=1e-5):
    mu = jnp.mean(x, axis=-1, keepdims=True)
    var = jnp.mean((x - mu) ** 2, axis=-1, keepdims=True)
    return (x - mu) / jnp.sqrt(var + eps) * gamma + beta


def setup_inputs(seed: int = 0) -> dict:
    key = jax.random.key(seed)
    ks = jax.random.split(key, 12)
    edge_feats = jax.random.normal(ks[0], (E, D_EDGE), dtype=jnp.float32)
    node_feats = jax.random.normal(ks[1], (N, D_NODE), dtype=jnp.float32)
    edge_index = jax.random.randint(ks[2], (2, E), 0, N, dtype=jnp.int64)
    # MeshGraphEdgeMLPSum parameters: fused first linear split into edge/src/dst parts
    We = jax.random.normal(ks[3], (HIDDEN, D_EDGE), dtype=jnp.float32) * 0.05
    Ws = jax.random.normal(ks[4], (HIDDEN, D_NODE), dtype=jnp.float32) * 0.05
    Wd = jax.random.normal(ks[5], (HIDDEN, D_NODE), dtype=jnp.float32) * 0.05
    b1 = jax.random.normal(ks[6], (HIDDEN,), dtype=jnp.float32) * 0.01
    W2 = jax.random.normal(ks[7], (OUT, HIDDEN), dtype=jnp.float32) * 0.05
    b2 = jax.random.normal(ks[8], (OUT,), dtype=jnp.float32) * 0.01
    gamma = jnp.ones((OUT,), dtype=jnp.float32)
    beta = jnp.zeros((OUT,), dtype=jnp.float32)
    return {
        "edge_feats": edge_feats,
        "node_feats": node_feats,
        "edge_index": edge_index,
        "We": We,
        "Ws": Ws,
        "Wd": Wd,
        "b1": b1,
        "W2": W2,
        "b2": b2,
        "gamma": gamma,
        "beta": beta,
    }


def reference(edge_feats, node_feats, edge_index, We, Ws, Wd, b1, W2, b2, gamma, beta):
    src = edge_index[0]
    dst = edge_index[1]
    # sum-trick fused first layer: W_e e + W_s x[src] + W_d x[dst] + b
    h = (
        edge_feats @ We.T
        + jnp.take(node_feats, src, axis=0) @ Ws.T
        + jnp.take(node_feats, dst, axis=0) @ Wd.T
        + b1
    )
    h = jax.nn.silu(h)
    h = h @ W2.T + b2
    h = _layer_norm(h, gamma, beta)
    edge_feats_new = h + edge_feats  # residual connection
    return (edge_feats_new, node_feats)

if __name__ == "__main__":
    import jax
    _d = setup_inputs()
    print(jax.jit(kernel)(*tuple(_d.values())))

</pallas_src>

<mosaic_0001>
#map = affine_map<(d0, d1) -> (0, 0)>
#map1 = affine_map<(d0, d1) -> (0)>
module attributes {stable_mosaic.version = 14 : i64} {
  func.func @sc_gather(%arg0: i32, %arg1: i32, %arg2: memref<10000x64xf32, #tpu.memory_space<hbm>>, %arg3: memref<320000xi32, #tpu.memory_space<hbm>>, %arg4: memref<320000xi32, #tpu.memory_space<hbm>>, %arg5: memref<160000x128xf32, #tpu.memory_space<hbm>>, %arg6: memref<160000x128xf32, #tpu.memory_space<hbm>>, %arg7: memref<10000xi32, #tpu.memory_space<vmem>>, %arg8: memref<10000xi32, #tpu.memory_space<vmem>>, %arg9: memref<3x80x64xf32, #tpu.memory_space<vmem>>, %arg10: memref<3x80x64xf32, #tpu.memory_space<vmem>>, %arg11: memref<!tpu.dma_semaphore, #tpu.memory_space<semaphore_mem>>, %arg12: memref<!tpu.dma_semaphore, #tpu.memory_space<semaphore_mem>>, %arg13: memref<!tpu.dma_semaphore, #tpu.memory_space<semaphore_mem>>, %arg14: memref<!tpu.dma_semaphore, #tpu.memory_space<semaphore_mem>>) attributes {dimension_semantics = [#tpu.dimension_semantics<core_parallel>, #tpu.dimension_semantics<subcore_parallel>], iteration_bounds = array<i64: 2, 16>, scalar_prefetch = 0 : i64, scratch_operands = 8 : i64, tpu.core_type = #tpu.core_type<sc_vector_subcore>, window_params = [{transform_indices = #map}, {transform_indices = #map1}, {transform_indices = #map1}, {transform_indices = #map}, {transform_indices = #map}]} {
    %mul3A = arith.constant 2 : i32
    %mul3A_0 = arith.muli %arg1, %mul3A : i32
    %add3A = arith.addi %mul3A_0, %arg0 : i32
    %mul3A_1 = arith.constant 10000 : i32
    %mul3A_2 = arith.muli %add3A, %mul3A_1 : i32
    %ge3A = arith.constant 16 : i32
    %ge3A_3 = arith.cmpi sge, %add3A, %ge3A : i32
    %convert_element_type3A = arith.extui %ge3A_3 : i1 to i32
    %mul3A_4 = arith.constant 160000 : i32
    %mul3A_5 = arith.muli %convert_element_type3A, %mul3A_4 : i32
    %sub3A = arith.subi %mul3A_2, %mul3A_5 : i32
    %mul3A_6 = arith.constant 64 : i32
    %mul3A_7 = arith.muli %convert_element_type3A, %mul3A_6 : i32
    "tpu.region"() ({
      %run_scoped3A = tpu.sem_alloc : memref<!tpu.dma_semaphore, #tpu.memory_space<semaphore_mem>>
      %dma_start3A_106 = tpu.memref_slice %arg3[%mul3A_2] : memref<320000xi32, #tpu.memory_space<hbm>> -> memref<10000xi32, #tpu.memory_space<hbm>>
      %dma_start3A_107 = tpu.memref_slice %arg3[%mul3A_2] : memref<320000xi32, #tpu.memory_space<hbm>> -> memref<10000xi32, #tpu.memory_space<hbm>>
      tpu.enqueue_dma source(%dma_start3A_107 : memref<10000xi32, #tpu.memory_space<hbm>>) target(%arg7 : memref<10000xi32, #tpu.memory_space<vmem>>) target_semaphore(%run_scoped3A : memref<!tpu.dma_semaphore, #tpu.memory_space<semaphore_mem>>)
      %dma_wait3A_108 = tpu.memref_slice %arg3[%mul3A_2] : memref<320000xi32, #tpu.memory_space<hbm>> -> memref<10000xi32, #tpu.memory_space<hbm>>
      %dma_wait3A_109 = tpu.memref_slice %arg3[%mul3A_2] : memref<320000xi32, #tpu.memory_space<hbm>> -> memref<10000xi32, #tpu.memory_space<hbm>>
      tpu.wait_dma2 semaphore(%run_scoped3A : memref<!tpu.dma_semaphore, #tpu.memory_space<semaphore_mem>>) src(%dma_wait3A_109 : memref<10000xi32, #tpu.memory_space<hbm>>) dst(%arg7 : memref<10000xi32, #tpu.memory_space<vmem>>)
      tpu.yield
    }) : () -> ()
    "tpu.region"() ({
      %run_scoped3A = tpu.sem_alloc : memref<!tpu.dma_semaphore, #tpu.memory_space<semaphore_mem>>
      %dma_start3A_106 = tpu.memref_slice %arg4[%mul3A_2] : memref<320000xi32, #tpu.memory_space<hbm>> -> memref<10000xi32, #tpu.memory_space<hbm>>
      %dma_start3A_107 = tpu.memref_slice %arg4[%mul3A_2] : memref<320000xi32, #tpu.memory_space<hbm>> -> memref<10000xi32, #tpu.memory_space<hbm>>
      tpu.enqueue_dma source(%dma_start3A_107 : memref<10000xi32, #tpu.memory_space<hbm>>) target(%arg8 : memref<10000xi32, #tpu.memory_space<vmem>>) target_semaphore(%run_scoped3A : memref<!tpu.dma_semaphore, #tpu.memory_space<semaphore_mem>>)
      %dma_wait3A_108 = tpu.memref_slice %arg4[%mul3A_2] : memref<320000xi32, #tpu.memory_space<hbm>> -> memref<10000xi32, #tpu.memory_space<hbm>>
      %dma_wait3A_109 = tpu.memref_slice %arg4[%mul3A_2] : memref<320000xi32, #tpu.memory_space<hbm>> -> memref<10000xi32, #tpu.memory_space<hbm>>
      tpu.wait_dma2 semaphore(%run_scoped3A : memref<!tpu.dma_semaphore, #tpu.memory_space<semaphore_mem>>) src(%dma_wait3A_109 : memref<10000xi32, #tpu.memory_space<hbm>>) dst(%arg8 : memref<10000xi32, #tpu.memory_space<vmem>>)
      tpu.yield
    }) : () -> ()
    %rem3A = arith.constant 0 : i32
    %rem3A_8 = arith.constant 3 : i32
    %rem3A_9 = arith.remsi %rem3A, %rem3A_8 : i32
    %dma_start3A = arith.constant 0 : i32
    %dma_start3A_10 = arith.constant 0 : i32
    %dma_start3A_11 = tpu.memref_slice %arg9[%rem3A_9, %dma_start3A, %dma_start3A_10] : memref<3x80x64xf32, #tpu.memory_space<vmem>> -> memref<1x80x64xf32, #tpu.memory_space<vmem>>
    %dma_start3A_12 = tpu.memref_squeeze %dma_start3A_11 : memref<1x80x64xf32, #tpu.memory_space<vmem>> -> memref<80x64xf32, #tpu.memory_space<vmem>>
    %dma_start3A_13 = arith.constant 0 : i32
    %dma_start3A_14 = tpu.memref_slice %arg7[%dma_start3A_13] : memref<10000xi32, #tpu.memory_space<vmem>> -> memref<80xi32, #tpu.memory_space<vmem>>
    %dma_start3A_15 = arith.constant 0 : i32
    %dma_start3A_16 = arith.constant 0 : i32
    %dma_start3A_17 = tpu.memref_slice %arg2[%dma_start3A_15, %dma_start3A_16] : memref<10000x64xf32, #tpu.memory_space<hbm>> -> memref<10000x64xf32, #tpu.memory_space<hbm>>
    tpu.enqueue_indirect_dma source(%dma_start3A_17 : memref<10000x64xf32, #tpu.memory_space<hbm>>) target(%dma_start3A_12 : memref<80x64xf32, #tpu.memory_space<vmem>>) offsets(%dma_start3A_14 : memref<80xi32, #tpu.memory_space<vmem>>) semaphore(%arg11 : memref<!tpu.dma_semaphore, #tpu.memory_space<semaphore_mem>>)
    %dma_start3A_18 = arith.constant 0 : i32
    %dma_start3A_19 = arith.constant 0 : i32
    %dma_start3A_20 = tpu.memref_slice %arg10[%rem3A_9, %dma_start3A_18, %dma_start3A_19] : memref<3x80x64xf32, #tpu.memory_space<vmem>> -> memref<1x80x64xf32, #tpu.memory_space<vmem>>
    %dma_start3A_21 = tpu.memref_squeeze %dma_start3A_20 : memref<1x80x64xf32, #tpu.memory_space<vmem>> -> memref<80x64xf32, #tpu.memory_space<vmem>>
    %dma_start3A_22 = arith.constant 0 : i32
    %dma_start3A_23 = tpu.memref_slice %arg8[%dma_start3A_22] : memref<10000xi32, #tpu.memory_space<vmem>> -> memref<80xi32, #tpu.memory_space<vmem>>
    %dma_start3A_24 = arith.constant 0 : i32
    %dma_start3A_25 = arith.constant 0 : i32
    %dma_start3A_26 = tpu.memref_slice %arg2[%dma_start3A_24, %dma_start3A_25] : memref<10000x64xf32, #tpu.memory_space<hbm>> -> memref<10000x64xf32, #tpu.memory_space<hbm>>
    tpu.enqueue_indirect_dma source(%dma_start3A_26 : memref<10000x64xf32, #tpu.memory_space<hbm>>) target(%dma_start3A_21 : memref<80x64xf32, #tpu.memory_space<vmem>>) offsets(%dma_start3A_23 : memref<80xi32, #tpu.memory_space<vmem>>) semaphore(%arg12 : memref<!tpu.dma_semaphore, #tpu.memory_space<semaphore_mem>>)
    %rem3A_27 = arith.constant 1 : i32
    %rem3A_28 = arith.constant 3 : i32
    %rem3A_29 = arith.remsi %rem3A_27, %rem3A_28 : i32
    %dma_start3A_30 = arith.constant 0 : i32
    %dma_start3A_31 = arith.constant 0 : i32
    %dma_start3A_32 = tpu.memref_slice %arg9[%rem3A_29, %dma_start3A_30, %dma_start3A_31] : memref<3x80x64xf32, #tpu.memory_space<vmem>> -> memref<1x80x64xf32, #tpu.memory_space<vmem>>
    %dma_start3A_33 = tpu.memref_squeeze %dma_start3A_32 : memref<1x80x64xf32, #tpu.memory_space<vmem>> -> memref<80x64xf32, #tpu.memory_space<vmem>>
    %dma_start3A_34 = arith.constant 80 : i32
    %dma_start3A_35 = tpu.memref_slice %arg7[%dma_start3A_34] : memref<10000xi32, #tpu.memory_space<vmem>> -> memref<80xi32, #tpu.memory_space<vmem>>
    %dma_start3A_36 = arith.constant 0 : i32
    %dma_start3A_37 = arith.constant 0 : i32
    %dma_start3A_38 = tpu.memref_slice %arg2[%dma_start3A_36, %dma_start3A_37] : memref<10000x64xf32, #tpu.memory_space<hbm>> -> memref<10000x64xf32, #tpu.memory_space<hbm>>
    tpu.enqueue_indirect_dma source(%dma_start3A_38 : memref<10000x64xf32, #tpu.memory_space<hbm>>) target(%dma_start3A_33 : memref<80x64xf32, #tpu.memory_space<vmem>>) offsets(%dma_start3A_35 : memref<80xi32, #tpu.memory_space<vmem>>) semaphore(%arg11 : memref<!tpu.dma_semaphore, #tpu.memory_space<semaphore_mem>>)
    %dma_start3A_39 = arith.constant 0 : i32
    %dma_start3A_40 = arith.constant 0 : i32
    %dma_start3A_41 = tpu.memref_slice %arg10[%rem3A_29, %dma_start3A_39, %dma_start3A_40] : memref<3x80x64xf32, #tpu.memory_space<vmem>> -> memref<1x80x64xf32, #tpu.memory_space<vmem>>
    %dma_start3A_42 = tpu.memref_squeeze %dma_start3A_41 : memref<1x80x64xf32, #tpu.memory_space<vmem>> -> memref<80x64xf32, #tpu.memory_space<vmem>>
    %dma_start3A_43 = arith.constant 80 : i32
    %dma_start3A_44 = tpu.memref_slice %arg8[%dma_start3A_43] : memref<10000xi32, #tpu.memory_space<vmem>> -> memref<80xi32, #tpu.memory_space<vmem>>
    %dma_start3A_45 = arith.constant 0 : i32
    %dma_start3A_46 = arith.constant 0 : i32
    %dma_start3A_47 = tpu.memref_slice %arg2[%dma_start3A_45, %dma_start3A_46] : memref<10000x64xf32, #tpu.memory_space<hbm>> -> memref<10000x64xf32, #tpu.memory_space<hbm>>
    tpu.enqueue_indirect_dma source(%dma_start3A_47 : memref<10000x64xf32, #tpu.memory_space<hbm>>) target(%dma_start3A_42 : memref<80x64xf32, #tpu.memory_space<vmem>>) offsets(%dma_start3A_44 : memref<80xi32, #tpu.memory_space<vmem>>) semaphore(%arg12 : memref<!tpu.dma_semaphore, #tpu.memory_space<semaphore_mem>>)
    %scan3A = arith.constant 0 : i32
    %scan3A_48 = arith.constant 0 : i32
    %scan3A_49 = arith.constant 125 : i32
    %scan3A_50 = arith.addi %scan3A_48, %scan3A_49 : i32
    %scan3A_51 = arith.constant 1 : i32
    scf.for %scan3A_106 = %scan3A_48 to %scan3A_50 step %scan3A_51  : i32 {
      %mul3A_107 = arith.constant 80 : i32
      %mul3A_108 = arith.muli %scan3A_106, %mul3A_107 : i32
      %rem3A_109 = arith.constant 3 : i32
      %rem3A_110 = arith.remsi %scan3A_106, %rem3A_109 : i32
      %dma_wait3A_111 = arith.constant 0 : i32
      %dma_wait3A_112 = arith.constant 0 : i32
      %dma_wait3A_113 = tpu.memref_slice %arg9[%rem3A_110, %dma_wait3A_111, %dma_wait3A_112] : memref<3x80x64xf32, #tpu.memory_space<vmem>> -> memref<1x80x64xf32, #tpu.memory_space<vmem>>
      %dma_wait3A_114 = tpu.memref_squeeze %dma_wait3A_113 : memref<1x80x64xf32, #tpu.memory_space<vmem>> -> memref<80x64xf32, #tpu.memory_space<vmem>>
      %dma_wait3A_115 = tpu.memref_slice %arg7[%mul3A_108] : memref<10000xi32, #tpu.memory_space<vmem>> -> memref<80xi32, #tpu.memory_space<vmem>>
      %dma_wait3A_116 = arith.constant 0 : i32
      %dma_wait3A_117 = arith.constant 0 : i32
      %dma_wait3A_118 = tpu.memref_slice %arg2[%dma_wait3A_116, %dma_wait3A_117] : memref<10000x64xf32, #tpu.memory_space<hbm>> -> memref<10000x64xf32, #tpu.memory_space<hbm>>
      tpu.wait_indirect_dma semaphore(%arg11 : memref<!tpu.dma_semaphore, #tpu.memory_space<semaphore_mem>>) src(%dma_wait3A_118 : memref<10000x64xf32, #tpu.memory_space<hbm>>) dst(%dma_wait3A_114 : memref<80x64xf32, #tpu.memory_space<vmem>>)
      %dma_wait3A_119 = arith.constant 0 : i32
      %dma_wait3A_120 = arith.constant 0 : i32
      %dma_wait3A_121 = tpu.memref_slice %arg10[%rem3A_110, %dma_wait3A_119, %dma_wait3A_120] : memref<3x80x64xf32, #tpu.memory_space<vmem>> -> memref<1x80x64xf32, #tpu.memory_space<vmem>>
      %dma_wait3A_122 = tpu.memref_squeeze %dma_wait3A_121 : memref<1x80x64xf32, #tpu.memory_space<vmem>> -> memref<80x64xf32, #tpu.memory_space<vmem>>
      %dma_wait3A_123 = tpu.memref_slice %arg8[%mul3A_108] : memref<10000xi32, #tpu.memory_space<vmem>> -> memref<80xi32, #tpu.memory_space<vmem>>
      %dma_wait3A_124 = arith.constant 0 : i32
      %dma_wait3A_125 = arith.constant 0 : i32
      %dma_wait3A_126 = tpu.memref_slice %arg2[%dma_wait3A_124, %dma_wait3A_125] : memref<10000x64xf32, #tpu.memory_space<hbm>> -> memref<10000x64xf32, #tpu.memory_space<hbm>>
      tpu.wait_indirect_dma semaphore(%arg12 : memref<!tpu.dma_semaphore, #tpu.memory_space<semaphore_mem>>) src(%dma_wait3A_126 : memref<10000x64xf32, #tpu.memory_space<hbm>>) dst(%dma_wait3A_122 : memref<80x64xf32, #tpu.memory_space<vmem>>)
      %rem3A_127 = arith.constant 3 : i32
      %rem3A_128 = arith.remsi %scan3A_106, %rem3A_127 : i32
      %mul3A_129 = arith.constant 80 : i32
      %mul3A_130 = arith.muli %scan3A_106, %mul3A_129 : i32
      %add3A_131 = arith.addi %sub3A, %mul3A_130 : i32
      %dma_start3A_132 = arith.constant 0 : i32
      %dma_start3A_133 = arith.constant 0 : i32
      %dma_start3A_134 = tpu.memref_slice %arg9[%rem3A_128, %dma_start3A_132, %dma_start3A_133] : memref<3x80x64xf32, #tpu.memory_space<vmem>> -> memref<1x80x64xf32, #tpu.memory_space<vmem>>
      %dma_start3A_135 = tpu.memref_squeeze %dma_start3A_134 : memref<1x80x64xf32, #tpu.memory_space<vmem>> -> memref<80x64xf32, #tpu.memory_space<vmem>>
      %dma_start3A_136 = tpu.memref_slice %arg5[%add3A_131, %mul3A_7] : memref<160000x128xf32, #tpu.memory_space<hbm>> -> memref<80x64xf32, #tpu.memory_space<hbm>>
      %dma_start3A_137 = tpu.memref_slice %arg5[%add3A_131, %mul3A_7] : memref<160000x128xf32, #tpu.memory_space<hbm>> -> memref<80x64xf32, #tpu.memory_space<hbm>>
      %dma_start3A_138 = arith.constant 0 : i32
      %dma_start3A_139 = arith.constant 0 : i32
      %dma_start3A_140 = tpu.memref_slice %arg9[%rem3A_128, %dma_start3A_138, %dma_start3A_139] : memref<3x80x64xf32, #tpu.memory_space<vmem>> -> memref<1x80x64xf32, #tpu.memory_space<vmem>>
      %dma_start3A_141 = tpu.memref_squeeze %dma_start3A_140 : memref<1x80x64xf32, #tpu.memory_space<vmem>> -> memref<80x64xf32, #tpu.memory_space<vmem>>
      tpu.enqueue_dma source(%dma_start3A_141 : memref<80x64xf32, #tpu.memory_space<vmem>>) target(%dma_start3A_137 : memref<80x64xf32, #tpu.memory_space<hbm>>) target_semaphore(%arg13 : memref<!tpu.dma_semaphore, #tpu.memory_space<semaphore_mem>>)
      %mul3A_142 = arith.constant 80 : i32
      %mul3A_143 = arith.muli %scan3A_106, %mul3A_142 : i32
      %add3A_144 = arith.addi %sub3A, %mul3A_143 : i32
      %dma_start3A_145 = arith.constant 0 : i32
      %dma_start3A_146 = arith.constant 0 : i32
      %dma_start3A_147 = tpu.memref_slice %arg10[%rem3A_128, %dma_start3A_145, %dma_start3A_146] : memref<3x80x64xf32, #tpu.memory_space<vmem>> -> memref<1x80x64xf32, #tpu.memory_space<vmem>>
      %dma_start3A_148 = tpu.memref_squeeze %dma_start3A_147 : memref<1x80x64xf32, #tpu.memory_space<vmem>> -> memref<80x64xf32, #tpu.memory_space<vmem>>
      %dma_start3A_149 = tpu.memref_slice %arg6[%add3A_144, %mul3A_7] : memref<160000x128xf32, #tpu.memory_space<hbm>> -> memref<80x64xf32, #tpu.memory_space<hbm>>
      %dma_start3A_150 = tpu.memref_slice %arg6[%add3A_144, %mul3A_7] : memref<160000x128xf32, #tpu.memory_space<hbm>> -> memref<80x64xf32, #tpu.memory_space<hbm>>
      %dma_start3A_151 = arith.constant 0 : i32
      %dma_start3A_152 = arith.constant 0 : i32
      %dma_start3A_153 = tpu.memref_slice %arg10[%rem3A_128, %dma_start3A_151, %dma_start3A_152] : memref<3x80x64xf32, #tpu.memory_space<vmem>> -> memref<1x80x64xf32, #tpu.memory_space<vmem>>
      %dma_start3A_154 = tpu.memref_squeeze %dma_start3A_153 : memref<1x80x64xf32, #tpu.memory_space<vmem>> -> memref<80x64xf32, #tpu.memory_space<vmem>>
      tpu.enqueue_dma source(%dma_start3A_154 : memref<80x64xf32, #tpu.memory_space<vmem>>) target(%dma_start3A_150 : memref<80x64xf32, #tpu.memory_space<hbm>>) target_semaphore(%arg14 : memref<!tpu.dma_semaphore, #tpu.memory_space<semaphore_mem>>)
      %add3A_155 = arith.constant 2 : i32
      %add3A_156 = arith.addi %scan3A_106, %add3A_155 : i32
      %lt3A = arith.constant 125 : i32
      %lt3A_157 = arith.cmpi slt, %add3A_156, %lt3A : i32
      %convert_element_type3A_158 = arith.extui %lt3A_157 : i1 to i32
      %cond3A = arith.constant 0 : i32
      %cond3A_159 = arith.cmpi ne, %convert_element_type3A_158, %cond3A : i32
      scf.if %cond3A_159 {
        %ge3A_160 = arith.constant 1 : i32
        %ge3A_161 = arith.cmpi sge, %scan3A_106, %ge3A_160 : i32
        %convert_element_type3A_162 = arith.extui %ge3A_161 : i1 to i32
        %cond3A_163 = arith.constant 0 : i32
        %cond3A_164 = arith.cmpi ne, %convert_element_type3A_162, %cond3A_163 : i32
        scf.if %cond3A_164 {
          %sub3A_187 = arith.constant 1 : i32
          %sub3A_188 = arith.subi %scan3A_106, %sub3A_187 : i32
          %rem3A_189 = arith.constant 3 : i32
          %rem3A_190 = arith.remsi %sub3A_188, %rem3A_189 : i32
          %mul3A_191 = arith.constant 80 : i32
          %mul3A_192 = arith.muli %sub3A_188, %mul3A_191 : i32
          %add3A_193 = arith.addi %sub3A, %mul3A_192 : i32
          %dma_wait3A_194 = arith.constant 0 : i32
          %dma_wait3A_195 = arith.constant 0 : i32
          %dma_wait3A_196 = tpu.memref_slice %arg9[%rem3A_190, %dma_wait3A_194, %dma_wait3A_195] : memref<3x80x64xf32, #tpu.memory_space<vmem>> -> memref<1x80x64xf32, #tpu.memory_space<vmem>>
          %dma_wait3A_197 = tpu.memref_squeeze %dma_wait3A_196 : memref<1x80x64xf32, #tpu.memory_space<vmem>> -> memref<80x64xf32, #tpu.memory_space<vmem>>
          %dma_wait3A_198 = tpu.memref_slice %arg5[%add3A_193, %mul3A_7] : memref<160000x128xf32, #tpu.memory_space<hbm>> -> memref<80x64xf32, #tpu.memory_space<hbm>>
          %dma_wait3A_199 = tpu.memref_slice %arg5[%add3A_193, %mul3A_7] : memref<160000x128xf32, #tpu.memory_space<hbm>> -> memref<80x64xf32, #tpu.memory_space<hbm>>
          %dma_wait3A_200 = arith.constant 0 : i32
          %dma_wait3A_201 = arith.constant 0 : i32
          %dma_wait3A_202 = tpu.memref_slice %arg9[%rem3A_190, %dma_wait3A_200, %dma_wait3A_201] : memref<3x80x64xf32, #tpu.memory_space<vmem>> -> memref<1x80x64xf32, #tpu.memory_space<vmem>>
          %dma_wait3A_203 = tpu.memref_squeeze %dma_wait3A_202 : memref<1x80x64xf32, #tpu.memory_space<vmem>> -> memref<80x64xf32, #tpu.memory_space<vmem>>
          tpu.wait_dma2 semaphore(%arg13 : memref<!tpu.dma_semaphore, #tpu.memory_space<semaphore_mem>>) src(%dma_wait3A_203 : memref<80x64xf32, #tpu.memory_space<vmem>>) dst(%dma_wait3A_199 : memref<80x64xf32, #tpu.memory_space<hbm>>)
          %mul3A_204 = arith.constant 80 : i32
          %mul3A_205 = arith.muli %sub3A_188, %mul3A_204 : i32
          %add3A_206 = arith.addi %sub3A, %mul3A_205 : i32
          %dma_wait3A_207 = arith.constant 0 : i32
          %dma_wait3A_208 = arith.constant 0 : i32
          %dma_wait3A_209 = tpu.memref_slice %arg10[%rem3A_190, %dma_wait3A_207, %dma_wait3A_208] : memref<3x80x64xf32, #tpu.memory_space<vmem>> -> memref<1x80x64xf32, #tpu.memory_space<vmem>>
          %dma_wait3A_210 = tpu.memref_squeeze %dma_wait3A_209 : memref<1x80x64xf32, #tpu.memory_space<vmem>> -> memref<80x64xf32, #tpu.memory_space<vmem>>
          %dma_wait3A_211 = tpu.memref_slice %arg6[%add3A_206, %mul3A_7] : memref<160000x128xf32, #tpu.memory_space<hbm>> -> memref<80x64xf32, #tpu.memory_space<hbm>>
          %dma_wait3A_212 = tpu.memref_slice %arg6[%add3A_206, %mul3A_7] : memref<160000x128xf32, #tpu.memory_space<hbm>> -> memref<80x64xf32, #tpu.memory_space<hbm>>
          %dma_wait3A_213 = arith.constant 0 : i32
          %dma_wait3A_214 = arith.constant 0 : i32
          %dma_wait3A_215 = tpu.memref_slice %arg10[%rem3A_190, %dma_wait3A_213, %dma_wait3A_214] : memref<3x80x64xf32, #tpu.memory_space<vmem>> -> memref<1x80x64xf32, #tpu.memory_space<vmem>>
          %dma_wait3A_216 = tpu.memref_squeeze %dma_wait3A_215 : memref<1x80x64xf32, #tpu.memory_space<vmem>> -> memref<80x64xf32, #tpu.memory_space<vmem>>
          tpu.wait_dma2 semaphore(%arg14 : memref<!tpu.dma_semaphore, #tpu.memory_space<semaphore_mem>>) src(%dma_wait3A_216 : memref<80x64xf32, #tpu.memory_space<vmem>>) dst(%dma_wait3A_212 : memref<80x64xf32, #tpu.memory_space<hbm>>)
        } else {
        }
        %add3A_165 = arith.constant 2 : i32
        %add3A_166 = arith.addi %scan3A_106, %add3A_165 : i32
        %mul3A_167 = arith.constant 80 : i32
        %mul3A_168 = arith.muli %add3A_166, %mul3A_167 : i32
        %rem3A_169 = arith.constant 3 : i32
        %rem3A_170 = arith.remsi %add3A_166, %rem3A_169 : i32
        %dma_start3A_171 = arith.constant 0 : i32
        %dma_start3A_172 = arith.constant 0 : i32
        %dma_start3A_173 = tpu.memref_slice %arg9[%rem3A_170, %dma_start3A_171, %dma_start3A_172] : memref<3x80x64xf32, #tpu.memory_space<vmem>> -> memref<1x80x64xf32, #tpu.memory_space<vmem>>
        %dma_start3A_174 = tpu.memref_squeeze %dma_start3A_173 : memref<1x80x64xf32, #tpu.memory_space<vmem>> -> memref<80x64xf32, #tpu.memory_space<vmem>>
        %dma_start3A_175 = tpu.memref_slice %arg7[%mul3A_168] : memref<10000xi32, #tpu.memory_space<vmem>> -> memref<80xi32, #tpu.memory_space<vmem>>
        %dma_start3A_176 = arith.constant 0 : i32
        %dma_start3A_177 = arith.constant 0 : i32
        %dma_start3A_178 = tpu.memref_slice %arg2[%dma_start3A_176, %dma_start3A_177] : memref<10000x64xf32, #tpu.memory_space<hbm>> -> memref<10000x64xf32, #tpu.memory_space<hbm>>
        tpu.enqueue_indirect_dma source(%dma_start3A_178 : memref<10000x64xf32, #tpu.memory_space<hbm>>) target(%dma_start3A_174 : memref<80x64xf32, #tpu.memory_space<vmem>>) offsets(%dma_start3A_175 : memref<80xi32, #tpu.memory_space<vmem>>) semaphore(%arg11 : memref<!tpu.dma_semaphore, #tpu.memory_space<semaphore_mem>>)
        %dma_start3A_179 = arith.constant 0 : i32
        %dma_start3A_180 = arith.constant 0 : i32
        %dma_start3A_181 = tpu.memref_slice %arg10[%rem3A_170, %dma_start3A_179, %dma_start3A_180] : memref<3x80x64xf32, #tpu.memory_space<vmem>> -> memref<1x80x64xf32, #tpu.memory_space<vmem>>
        %dma_start3A_182 = tpu.memref_squeeze %dma_start3A_181 : memref<1x80x64xf32, #tpu.memory_space<vmem>> -> memref<80x64xf32, #tpu.memory_space<vmem>>
        %dma_start3A_183 = tpu.memref_slice %arg8[%mul3A_168] : memref<10000xi32, #tpu.memory_space<vmem>> -> memref<80xi32, #tpu.memory_space<vmem>>
        %dma_start3A_184 = arith.constant 0 : i32
        %dma_start3A_185 = arith.constant 0 : i32
        %dma_start3A_186 = tpu.memref_slice %arg2[%dma_start3A_184, %dma_start3A_185] : memref<10000x64xf32, #tpu.memory_space<hbm>> -> memref<10000x64xf32, #tpu.memory_space<hbm>>
        tpu.enqueue_indirect_dma source(%dma_start3A_186 : memref<10000x64xf32, #tpu.memory_space<hbm>>) target(%dma_start3A_182 : memref<80x64xf32, #tpu.memory_space<vmem>>) offsets(%dma_start3A_183 : memref<80xi32, #tpu.memory_space<vmem>>) semaphore(%arg12 : memref<!tpu.dma_semaphore, #tpu.memory_space<semaphore_mem>>)
      } else {
      }
    }
    %scan3A_52 = arith.constant 125 : i32
    %rem3A_53 = arith.constant 123 : i32
    %rem3A_54 = arith.constant 3 : i32
    %rem3A_55 = arith.remsi %rem3A_53, %rem3A_54 : i32
    %add3A_56 = arith.constant 9840 : i32
    %add3A_57 = arith.addi %sub3A, %add3A_56 : i32
    %dma_wait3A = arith.constant 0 : i32
    %dma_wait3A_58 = arith.constant 0 : i32
    %dma_wait3A_59 = tpu.memref_slice %arg9[%rem3A_55, %dma_wait3A, %dma_wait3A_58] : memref<3x80x64xf32, #tpu.memory_space<vmem>> -> memref<1x80x64xf32, #tpu.memory_space<vmem>>
    %dma_wait3A_60 = tpu.memref_squeeze %dma_wait3A_59 : memref<1x80x64xf32, #tpu.memory_space<vmem>> -> memref<80x64xf32, #tpu.memory_space<vmem>>
    %dma_wait3A_61 = tpu.memref_slice %arg5[%add3A_57, %mul3A_7] : memref<160000x128xf32, #tpu.memory_space<hbm>> -> memref<80x64xf32, #tpu.memory_space<hbm>>
    %dma_wait3A_62 = tpu.memref_slice %arg5[%add3A_57, %mul3A_7] : memref<160000x128xf32, #tpu.memory_space<hbm>> -> memref<80x64xf32, #tpu.memory_space<hbm>>
    %dma_wait3A_63 = arith.constant 0 : i32
    %dma_wait3A_64 = arith.constant 0 : i32
    %dma_wait3A_65 = tpu.memref_slice %arg9[%rem3A_55, %dma_wait3A_63, %dma_wait3A_64] : memref<3x80x64xf32, #tpu.memory_space<vmem>> -> memref<1x80x64xf32, #tpu.memory_space<vmem>>
    %dma_wait3A_66 = tpu.memref_squeeze %dma_wait3A_65 : memref<1x80x64xf32, #tpu.memory_space<vmem>> -> memref<80x64xf32, #tpu.memory_space<vmem>>
    tpu.wait_dma2 semaphore(%arg13 : memref<!tpu.dma_semaphore, #tpu.memory_space<semaphore_mem>>) src(%dma_wait3A_66 : memref<80x64xf32, #tpu.memory_space<vmem>>) dst(%dma_wait3A_62 : memref<80x64xf32, #tpu.memory_space<hbm>>)
    %add3A_67 = arith.constant 9840 : i32
    %add3A_68 = arith.addi %sub3A, %add3A_67 : i32
    %dma_wait3A_69 = arith.constant 0 : i32
    %dma_wait3A_70 = arith.constant 0 : i32
    %dma_wait3A_71 = tpu.memref_slice %arg10[%rem3A_55, %dma_wait3A_69, %dma_wait3A_70] : memref<3x80x64xf32, #tpu.memory_space<vmem>> -> memref<1x80x64xf32, #tpu.memory_space<vmem>>
    %dma_wait3A_72 = tpu.memref_squeeze %dma_wait3A_71 : memref<1x80x64xf32, #tpu.memory_space<vmem>> -> memref<80x64xf32, #tpu.memory_space<vmem>>
    %dma_wait3A_73 = tpu.memref_slice %arg6[%add3A_68, %mul3A_7] : memref<160000x128xf32, #tpu.memory_space<hbm>> -> memref<80x64xf32, #tpu.memory_space<hbm>>
    %dma_wait3A_74 = tpu.memref_slice %arg6[%add3A_68, %mul3A_7] : memref<160000x128xf32, #tpu.memory_space<hbm>> -> memref<80x64xf32, #tpu.memory_space<hbm>>
    %dma_wait3A_75 = arith.constant 0 : i32
    %dma_wait3A_76 = arith.constant 0 : i32
    %dma_wait3A_77 = tpu.memref_slice %arg10[%rem3A_55, %dma_wait3A_75, %dma_wait3A_76] : memref<3x80x64xf32, #tpu.memory_space<vmem>> -> memref<1x80x64xf32, #tpu.memory_space<vmem>>
    %dma_wait3A_78 = tpu.memref_squeeze %dma_wait3A_77 : memref<1x80x64xf32, #tpu.memory_space<vmem>> -> memref<80x64xf32, #tpu.memory_space<vmem>>
    tpu.wait_dma2 semaphore(%arg14 : memref<!tpu.dma_semaphore, #tpu.memory_space<semaphore_mem>>) src(%dma_wait3A_78 : memref<80x64xf32, #tpu.memory_space<vmem>>) dst(%dma_wait3A_74 : memref<80x64xf32, #tpu.memory_space<hbm>>)
    %rem3A_79 = arith.constant 124 : i32
    %rem3A_80 = arith.constant 3 : i32
    %rem3A_81 = arith.remsi %rem3A_79, %rem3A_80 : i32
    %add3A_82 = arith.constant 9920 : i32
    %add3A_83 = arith.addi %sub3A, %add3A_82 : i32
    %dma_wait3A_84 = arith.constant 0 : i32
    %dma_wait3A_85 = arith.constant 0 : i32
    %dma_wait3A_86 = tpu.memref_slice %arg9[%rem3A_81, %dma_wait3A_84, %dma_wait3A_85] : memref<3x80x64xf32, #tpu.memory_space<vmem>> -> memref<1x80x64xf32, #tpu.memory_space<vmem>>
    %dma_wait3A_87 = tpu.memref_squeeze %dma_wait3A_86 : memref<1x80x64xf32, #tpu.memory_space<vmem>> -> memref<80x64xf32, #tpu.memory_space<vmem>>
    %dma_wait3A_88 = tpu.memref_slice %arg5[%add3A_83, %mul3A_7] : memref<160000x128xf32, #tpu.memory_space<hbm>> -> memref<80x64xf32, #tpu.memory_space<hbm>>
    %dma_wait3A_89 = tpu.memref_slice %arg5[%add3A_83, %mul3A_7] : memref<160000x128xf32, #tpu.memory_space<hbm>> -> memref<80x64xf32, #tpu.memory_space<hbm>>
    %dma_wait3A_90 = arith.constant 0 : i32
    %dma_wait3A_91 = arith.constant 0 : i32
    %dma_wait3A_92 = tpu.memref_slice %arg9[%rem3A_81, %dma_wait3A_90, %dma_wait3A_91] : memref<3x80x64xf32, #tpu.memory_space<vmem>> -> memref<1x80x64xf32, #tpu.memory_space<vmem>>
    %dma_wait3A_93 = tpu.memref_squeeze %dma_wait3A_92 : memref<1x80x64xf32, #tpu.memory_space<vmem>> -> memref<80x64xf32, #tpu.memory_space<vmem>>
    tpu.wait_dma2 semaphore(%arg13 : memref<!tpu.dma_semaphore, #tpu.memory_space<semaphore_mem>>) src(%dma_wait3A_93 : memref<80x64xf32, #tpu.memory_space<vmem>>) dst(%dma_wait3A_89 : memref<80x64xf32, #tpu.memory_space<hbm>>)
    %add3A_94 = arith.constant 9920 : i32
    %add3A_95 = arith.addi %sub3A, %add3A_94 : i32
    %dma_wait3A_96 = arith.constant 0 : i32
    %dma_wait3A_97 = arith.constant 0 : i32
    %dma_wait3A_98 = tpu.memref_slice %arg10[%rem3A_81, %dma_wait3A_96, %dma_wait3A_97] : memref<3x80x64xf32, #tpu.memory_space<vmem>> -> memref<1x80x64xf32, #tpu.memory_space<vmem>>
    %dma_wait3A_99 = tpu.memref_squeeze %dma_wait3A_98 : memref<1x80x64xf32, #tpu.memory_space<vmem>> -> memref<80x64xf32, #tpu.memory_space<vmem>>
    %dma_wait3A_100 = tpu.memref_slice %arg6[%add3A_95, %mul3A_7] : memref<160000x128xf32, #tpu.memory_space<hbm>> -> memref<80x64xf32, #tpu.memory_space<hbm>>
    %dma_wait3A_101 = tpu.memref_slice %arg6[%add3A_95, %mul3A_7] : memref<160000x128xf32, #tpu.memory_space<hbm>> -> memref<80x64xf32, #tpu.memory_space<hbm>>
    %dma_wait3A_102 = arith.constant 0 : i32
    %dma_wait3A_103 = arith.constant 0 : i32
    %dma_wait3A_104 = tpu.memref_slice %arg10[%rem3A_81, %dma_wait3A_102, %dma_wait3A_103] : memref<3x80x64xf32, #tpu.memory_space<vmem>> -> memref<1x80x64xf32, #tpu.memory_space<vmem>>
    %dma_wait3A_105 = tpu.memref_squeeze %dma_wait3A_104 : memref<1x80x64xf32, #tpu.memory_space<vmem>> -> memref<80x64xf32, #tpu.memory_space<vmem>>
    tpu.wait_dma2 semaphore(%arg14 : memref<!tpu.dma_semaphore, #tpu.memory_space<semaphore_mem>>) src(%dma_wait3A_105 : memref<80x64xf32, #tpu.memory_space<vmem>>) dst(%dma_wait3A_101 : memref<80x64xf32, #tpu.memory_space<hbm>>)
    return
  }
}

module attributes {stable_mosaic.version = 14 : i64} {
  func.func @_mlp_body(%arg0: i32, %arg1: memref<2x4000x128xf32, #tpu.memory_space<vmem>>, %arg2: memref<4000x128xf32, #tpu.memory_space<vmem>>, %arg3: memref<4000x128xf32, #tpu.memory_space<vmem>>, %arg4: memref<640x256xbf16, #tpu.memory_space<vmem>>, %arg5: memref<640x256xbf16, #tpu.memory_space<vmem>>, %arg6: memref<1x256xf32, #tpu.memory_space<vmem>>, %arg7: memref<256x128xbf16, #tpu.memory_space<vmem>>, %arg8: memref<1x128xf32, #tpu.memory_space<vmem>>, %arg9: memref<1x128xf32, #tpu.memory_space<vmem>>, %arg10: memref<1x128xf32, #tpu.memory_space<vmem>>, %arg11: memref<2x4000x128xf32, #tpu.memory_space<vmem>>) attributes {dimension_semantics = [#tpu.dimension_semantics<arbitrary>], iteration_bounds = array<i64: 40>, scalar_prefetch = 0 : i64, scratch_operands = 0 : i64, tpu.core_type = #tpu.core_type<tc>, window_params = [{transform_indices = @transform_0, window_bounds = array<i64: 2, 4000, 128>}, {transform_indices = @transform_1, window_bounds = array<i64: 4000, 128>}, {transform_indices = @transform_2, window_bounds = array<i64: 4000, 128>}, {pipeline_mode = #tpu.pipeline_mode<synchronous>, transform_indices = @transform_3, window_bounds = array<i64: 640, 256>}, {pipeline_mode = #tpu.pipeline_mode<synchronous>, transform_indices = @transform_4, window_bounds = array<i64: 640, 256>}, {pipeline_mode = #tpu.pipeline_mode<synchronous>, transform_indices = @transform_5, window_bounds = array<i64: 1, 256>}, {pipeline_mode = #tpu.pipeline_mode<synchronous>, transform_indices = @transform_6, window_bounds = array<i64: 256, 128>}, {pipeline_mode = #tpu.pipeline_mode<synchronous>, transform_indices = @transform_7, window_bounds = array<i64: 1, 128>}, {pipeline_mode = #tpu.pipeline_mode<synchronous>, transform_indices = @transform_8, window_bounds = array<i64: 1, 128>}, {pipeline_mode = #tpu.pipeline_mode<synchronous>, transform_indices = @transform_9, window_bounds = array<i64: 1, 128>}, {transform_indices = @transform_10, window_bounds = array<i64: 2, 4000, 128>}]} {
    %get3A = arith.constant 0 : index
    %get3A_0 = arith.constant 0 : index
    %get3A_1 = vector.load %arg2[%get3A, %get3A_0] : memref<4000x128xf32, #tpu.memory_space<vmem>>, vector<4000x128xf32>
    %bitcast_convert_type3A = tpu.bitcast %get3A_1 : vector<4000x128xf32> -> vector<4000x128xi32>
    %shift_left3A = arith.constant 16 : i32
    %shift_left3A_2 = vector.broadcast %shift_left3A : i32 to vector<4000x128xi32>
    %shift_left3A_3 = arith.shli %bitcast_convert_type3A, %shift_left3A_2 : vector<4000x128xi32>
    %bitcast_convert_type3A_4 = tpu.bitcast %shift_left3A_3 : vector<4000x128xi32> -> vector<4000x128xf32>
    %and3A = arith.constant -65536 : i32
    %and3A_5 = vector.broadcast %and3A : i32 to vector<4000x128xi32>
    %and3A_6 = arith.andi %bitcast_convert_type3A, %and3A_5 : vector<4000x128xi32>
    %bitcast_convert_type3A_7 = tpu.bitcast %and3A_6 : vector<4000x128xi32> -> vector<4000x128xf32>
    %convert_element_type3A = arith.truncf %bitcast_convert_type3A_4 : vector<4000x128xf32> to vector<4000x128xbf16>
    %convert_element_type3A_8 = arith.truncf %bitcast_convert_type3A_7 : vector<4000x128xf32> to vector<4000x128xbf16>
    %get3A_9 = arith.constant 0 : index
    %get3A_10 = arith.constant 0 : index
    %get3A_11 = vector.load %arg3[%get3A_9, %get3A_10] : memref<4000x128xf32, #tpu.memory_space<vmem>>, vector<4000x128xf32>
    %bitcast_convert_type3A_12 = tpu.bitcast %get3A_11 : vector<4000x128xf32> -> vector<4000x128xi32>
    %shift_left3A_13 = arith.constant 16 : i32
    %shift_left3A_14 = vector.broadcast %shift_left3A_13 : i32 to vector<4000x128xi32>
    %shift_left3A_15 = arith.shli %bitcast_convert_type3A_12, %shift_left3A_14 : vector<4000x128xi32>
    %bitcast_convert_type3A_16 = tpu.bitcast %shift_left3A_15 : vector<4000x128xi32> -> vector<4000x128xf32>
    %and3A_17 = arith.constant -65536 : i32
    %and3A_18 = vector.broadcast %and3A_17 : i32 to vector<4000x128xi32>
    %and3A_19 = arith.andi %bitcast_convert_type3A_12, %and3A_18 : vector<4000x128xi32>
    %bitcast_convert_type3A_20 = tpu.bitcast %and3A_19 : vector<4000x128xi32> -> vector<4000x128xf32>
    %convert_element_type3A_21 = arith.truncf %bitcast_convert_type3A_16 : vector<4000x128xf32> to vector<4000x128xbf16>
    %convert_element_type3A_22 = arith.truncf %bitcast_convert_type3A_20 : vector<4000x128xf32> to vector<4000x128xbf16>
    %concatenate3A = tpu.concatenate %convert_element_type3A, %convert_element_type3A_8, %convert_element_type3A_21, %convert_element_type3A_22 in 1 : vector<4000x128xbf16>, vector<4000x128xbf16>, vector<4000x128xbf16>, vector<4000x128xbf16> -> vector<4000x512xbf16>
    %get3A_23 = arith.constant 0 : index
    %get3A_24 = arith.constant 0 : index
    %get3A_25 = arith.constant 0 : index
    %get3A_26 = vector.load %arg1[%get3A_23, %get3A_24, %get3A_25] : memref<2x4000x128xf32, #tpu.memory_space<vmem>>, vector<1x4000x128xf32>
    %get3A_27 = vector.shape_cast %get3A_26 : vector<1x4000x128xf32> to vector<4000x128xf32>
    %convert_element_type3A_28 = arith.truncf %get3A_27 : vector<4000x128xf32> to vector<4000x128xbf16>
    %concatenate3A_29 = tpu.concatenate %convert_element_type3A_28, %concatenate3A in 1 : vector<4000x128xbf16>, vector<4000x512xbf16> -> vector<4000x640xbf16>
    %get3A_30 = arith.constant 0 : index
    %get3A_31 = arith.constant 0 : index
    %get3A_32 = vector.load %arg4[%get3A_30, %get3A_31] : memref<640x256xbf16, #tpu.memory_space<vmem>>, vector<640x256xbf16>
    %dot_general3A = arith.constant dense<0.000000e+00> : vector<4000x256xf32>
    %dot_general3A_33 = tpu.matmul %concatenate3A_29, %get3A_32, %dot_general3A {dimension_numbers = #tpu.dot_dimension_numbers<[1], [0], [0], [1], [0, 0, 1, 1], [], []>, transpose_lhs_hint = false} : vector<4000x640xbf16>, vector<640x256xbf16>, vector<4000x256xf32> -> vector<4000x256xf32>
    %get3A_34 = arith.constant 0 : index
    %get3A_35 = arith.constant 0 : index
    %get3A_36 = vector.load %arg6[%get3A_34, %get3A_35] : memref<1x256xf32, #tpu.memory_space<vmem>>, vector<1x256xf32>
    %add3A = vector.broadcast %get3A_36 : vector<1x256xf32> to vector<4000x256xf32>
    %add3A_37 = arith.addf %dot_general3A_33, %add3A : vector<4000x256xf32>
    %tanh3A = math.tanh %add3A_37 : vector<4000x256xf32>
    %add3A_38 = arith.constant 1.000000e+00 : f32
    %add3A_39 = vector.broadcast %add3A_38 : f32 to vector<4000x256xf32>
    %add3A_40 = arith.addf %add3A_39, %tanh3A : vector<4000x256xf32>
    %mul3A = arith.mulf %add3A_37, %add3A_40 : vector<4000x256xf32>
    %convert_element_type3A_41 = arith.truncf %mul3A : vector<4000x256xf32> to vector<4000x256xbf16>
    %get3A_42 = arith.constant 0 : index
    %get3A_43 = arith.constant 0 : index
    %get3A_44 = vector.load %arg7[%get3A_42, %get3A_43] : memref<256x128xbf16, #tpu.memory_space<vmem>>, vector<256x128xbf16>
    %dot_general3A_45 = arith.constant dense<0.000000e+00> : vector<4000x128xf32>
    %dot_general3A_46 = tpu.matmul %convert_element_type3A_41, %get3A_44, %dot_general3A_45 {dimension_numbers = #tpu.dot_dimension_numbers<[1], [0], [0], [1], [0, 0, 1, 1], [], []>, transpose_lhs_hint = false} : vector<4000x256xbf16>, vector<256x128xbf16>, vector<4000x128xf32> -> vector<4000x128xf32>
    %get3A_47 = arith.constant 0 : index
    %get3A_48 = arith.constant 0 : index
    %get3A_49 = vector.load %arg8[%get3A_47, %get3A_48] : memref<1x128xf32, #tpu.memory_space<vmem>>, vector<1x128xf32>
    %add3A_50 = vector.broadcast %get3A_49 : vector<1x128xf32> to vector<4000x128xf32>
    %add3A_51 = arith.addf %dot_general3A_46, %add3A_50 : vector<4000x128xf32>
    %reduce_sum3A = arith.constant dense<0.000000e+00> : vector<4000xf32>
    %reduce_sum3A_52 = vector.multi_reduction <add>, %add3A_51, %reduce_sum3A [1] : vector<4000x128xf32> to vector<4000xf32>
    %broadcast_in_dim3A = vector.shape_cast %reduce_sum3A_52 : vector<4000xf32> to vector<4000x1xf32>
    %div3A = arith.constant 1.280000e+02 : f32
    %div3A_53 = vector.broadcast %div3A : f32 to vector<4000x1xf32>
    %div3A_54 = arith.divf %broadcast_in_dim3A, %div3A_53 : vector<4000x1xf32>
    %sub3A = vector.broadcast %div3A_54 : vector<4000x1xf32> to vector<4000x128xf32>
    %sub3A_55 = arith.subf %add3A_51, %sub3A : vector<4000x128xf32>
    %mul3A_56 = arith.mulf %sub3A_55, %sub3A_55 : vector<4000x128xf32>
    %reduce_sum3A_57 = arith.constant dense<0.000000e+00> : vector<4000xf32>
    %reduce_sum3A_58 = vector.multi_reduction <add>, %mul3A_56, %reduce_sum3A_57 [1] : vector<4000x128xf32> to vector<4000xf32>
    %broadcast_in_dim3A_59 = vector.shape_cast %reduce_sum3A_58 : vector<4000xf32> to vector<4000x1xf32>
    %div3A_60 = arith.constant 1.280000e+02 : f32
    %div3A_61 = vector.broadcast %div3A_60 : f32 to vector<4000x1xf32>
    %div3A_62 = arith.divf %broadcast_in_dim3A_59, %div3A_61 : vector<4000x1xf32>
    %add3A_63 = arith.constant 9.99999974E-6 : f32
    %add3A_64 = vector.broadcast %add3A_63 : f32 to vector<4000x1xf32>
    %add3A_65 = arith.addf %div3A_62, %add3A_64 : vector<4000x1xf32>
    %rsqrt3A = math.rsqrt %add3A_65 : vector<4000x1xf32>
    %mul3A_66 = vector.broadcast %rsqrt3A : vector<4000x1xf32> to vector<4000x128xf32>
    %mul3A_67 = arith.mulf %sub3A_55, %mul3A_66 : vector<4000x128xf32>
    %add3A_68 = arith.addf %mul3A_67, %get3A_27 : vector<4000x128xf32>
    %swap3A = arith.constant 0 : index
    %swap3A_69 = arith.constant 0 : index
    %swap3A_70 = arith.constant 0 : index
    %swap3A_71 = vector.load %arg11[%swap3A, %swap3A_69, %swap3A_70] : memref<2x4000x128xf32, #tpu.memory_space<vmem>>, vector<1x4000x128xf32>
    %swap3A_72 = vector.shape_cast %swap3A_71 : vector<1x4000x128xf32> to vector<4000x128xf32>
    %swap3A_73 = vector.shape_cast %add3A_68 : vector<4000x128xf32> to vector<1x4000x128xf32>
    tpu.vector_store %arg11[%swap3A, %swap3A_69, %swap3A_70], %swap3A_73 {strides = array<i32>} : memref<2x4000x128xf32, #tpu.memory_space<vmem>>, vector<1x4000x128xf32>,
    %get3A_74 = arith.constant 1 : index
    %get3A_75 = arith.constant 0 : index
    %get3A_76 = arith.constant 0 : index
    %get3A_77 = vector.load %arg1[%get3A_74, %get3A_75, %get3A_76] : memref<2x4000x128xf32, #tpu.memory_space<vmem>>, vector<1x4000x128xf32>
    %get3A_78 = vector.shape_cast %get3A_77 : vector<1x4000x128xf32> to vector<4000x128xf32>
    %convert_element_type3A_79 = arith.truncf %get3A_78 : vector<4000x128xf32> to vector<4000x128xbf16>
    %concatenate3A_80 = tpu.concatenate %convert_element_type3A_79, %concatenate3A in 1 : vector<4000x128xbf16>, vector<4000x512xbf16> -> vector<4000x640xbf16>
    %get3A_81 = arith.constant 0 : index
    %get3A_82 = arith.constant 0 : index
    %get3A_83 = vector.load %arg5[%get3A_81, %get3A_82] : memref<640x256xbf16, #tpu.memory_space<vmem>>, vector<640x256xbf16>
    %dot_general3A_84 = arith.constant dense<0.000000e+00> : vector<4000x256xf32>
    %dot_general3A_85 = tpu.matmul %concatenate3A_80, %get3A_83, %dot_general3A_84 {dimension_numbers = #tpu.dot_dimension_numbers<[1], [0], [0], [1], [0, 0, 1, 1], [], []>, transpose_lhs_hint = false} : vector<4000x640xbf16>, vector<640x256xbf16>, vector<4000x256xf32> -> vector<4000x256xf32>
    %get3A_86 = arith.constant 0 : index
    %get3A_87 = arith.constant 0 : index
    %get3A_88 = vector.load %arg6[%get3A_86, %get3A_87] : memref<1x256xf32, #tpu.memory_space<vmem>>, vector<1x256xf32>
    %add3A_89 = vector.broadcast %get3A_88 : vector<1x256xf32> to vector<4000x256xf32>
    %add3A_90 = arith.addf %dot_general3A_85, %add3A_89 : vector<4000x256xf32>
    %tanh3A_91 = math.tanh %add3A_90 : vector<4000x256xf32>
    %add3A_92 = arith.constant 1.000000e+00 : f32
    %add3A_93 = vector.broadcast %add3A_92 : f32 to vector<4000x256xf32>
    %add3A_94 = arith.addf %add3A_93, %tanh3A_91 : vector<4000x256xf32>
    %mul3A_95 = arith.mulf %add3A_90, %add3A_94 : vector<4000x256xf32>
    %convert_element_type3A_96 = arith.truncf %mul3A_95 : vector<4000x256xf32> to vector<4000x256xbf16>
    %get3A_97 = arith.constant 0 : index
    %get3A_98 = arith.constant 0 : index
    %get3A_99 = vector.load %arg7[%get3A_97, %get3A_98] : memref<256x128xbf16, #tpu.memory_space<vmem>>, vector<256x128xbf16>
    %dot_general3A_100 = arith.constant dense<0.000000e+00> : vector<4000x128xf32>
    %dot_general3A_101 = tpu.matmul %convert_element_type3A_96, %get3A_99, %dot_general3A_100 {dimension_numbers = #tpu.dot_dimension_numbers<[1], [0], [0], [1], [0, 0, 1, 1], [], []>, transpose_lhs_hint = false} : vector<4000x256xbf16>, vector<256x128xbf16>, vector<4000x128xf32> -> vector<4000x128xf32>
    %get3A_102 = arith.constant 0 : index
    %get3A_103 = arith.constant 0 : index
    %get3A_104 = vector.load %arg8[%get3A_102, %get3A_103] : memref<1x128xf32, #tpu.memory_space<vmem>>, vector<1x128xf32>
    %add3A_105 = vector.broadcast %get3A_104 : vector<1x128xf32> to vector<4000x128xf32>
    %add3A_106 = arith.addf %dot_general3A_101, %add3A_105 : vector<4000x128xf32>
    %reduce_sum3A_107 = arith.constant dense<0.000000e+00> : vector<4000xf32>
    %reduce_sum3A_108 = vector.multi_reduction <add>, %add3A_106, %reduce_sum3A_107 [1] : vector<4000x128xf32> to vector<4000xf32>
    %broadcast_in_dim3A_109 = vector.shape_cast %reduce_sum3A_108 : vector<4000xf32> to vector<4000x1xf32>
    %div3A_110 = arith.constant 1.280000e+02 : f32
    %div3A_111 = vector.broadcast %div3A_110 : f32 to vector<4000x1xf32>
    %div3A_112 = arith.divf %broadcast_in_dim3A_109, %div3A_111 : vector<4000x1xf32>
    %sub3A_113 = vector.broadcast %div3A_112 : vector<4000x1xf32> to vector<4000x128xf32>
    %sub3A_114 = arith.subf %add3A_106, %sub3A_113 : vector<4000x128xf32>
    %mul3A_115 = arith.mulf %sub3A_114, %sub3A_114 : vector<4000x128xf32>
    %reduce_sum3A_116 = arith.constant dense<0.000000e+00> : vector<4000xf32>
    %reduce_sum3A_117 = vector.multi_reduction <add>, %mul3A_115, %reduce_sum3A_116 [1] : vector<4000x128xf32> to vector<4000xf32>
    %broadcast_in_dim3A_118 = vector.shape_cast %reduce_sum3A_117 : vector<4000xf32> to vector<4000x1xf32>
    %div3A_119 = arith.constant 1.280000e+02 : f32
    %div3A_120 = vector.broadcast %div3A_119 : f32 to vector<4000x1xf32>
    %div3A_121 = arith.divf %broadcast_in_dim3A_118, %div3A_120 : vector<4000x1xf32>
    %add3A_122 = arith.constant 9.99999974E-6 : f32
    %add3A_123 = vector.broadcast %add3A_122 : f32 to vector<4000x1xf32>
    %add3A_124 = arith.addf %div3A_121, %add3A_123 : vector<4000x1xf32>
    %rsqrt3A_125 = math.rsqrt %add3A_124 : vector<4000x1xf32>
    %mul3A_126 = vector.broadcast %rsqrt3A_125 : vector<4000x1xf32> to vector<4000x128xf32>
    %mul3A_127 = arith.mulf %sub3A_114, %mul3A_126 : vector<4000x128xf32>
    %add3A_128 = arith.addf %mul3A_127, %get3A_78 : vector<4000x128xf32>
    %swap3A_129 = arith.constant 1 : index
    %swap3A_130 = arith.constant 0 : index
    %swap3A_131 = arith.constant 0 : index
    %swap3A_132 = vector.load %arg11[%swap3A_129, %swap3A_130, %swap3A_131] : memref<2x4000x128xf32, #tpu.memory_space<vmem>>, vector<1x4000x128xf32>
    %swap3A_133 = vector.shape_cast %swap3A_132 : vector<1x4000x128xf32> to vector<4000x128xf32>
    %swap3A_134 = vector.shape_cast %add3A_128 : vector<4000x128xf32> to vector<1x4000x128xf32>
    tpu.vector_store %arg11[%swap3A_129, %swap3A_130, %swap3A_131], %swap3A_134 {strides = array<i32>} : memref<2x4000x128xf32, #tpu.memory_space<vmem>>, vector<1x4000x128xf32>,
    return
  }
  func.func @transform_0(%arg0: i32) -> (i32, i32, i32) {
    %c0_i32 = arith.constant 0 : i32
    %c0_i32_0 = arith.constant 0 : i32
    %c0_i32_1 = arith.constant 0 : i32
    return %c0_i32, %arg0, %c0_i32_0 : i32, i32, i32
  }
  func.func @transform_1(%arg0: i32) -> (i32, i32) {
    %c0_i32 = arith.constant 0 : i32
    %c0_i32_0 = arith.constant 0 : i32
    return %arg0, %c0_i32 : i32, i32
  }
  func.func @transform_2(%arg0: i32) -> (i32, i32) {
    %c0_i32 = arith.constant 0 : i32
    %c0_i32_0 = arith.constant 0 : i32
    return %arg0, %c0_i32 : i32, i32
  }
  func.func @transform_3(%arg0: i32) -> (i32, i32) {
    %c0_i32 = arith.constant 0 : i32
    %c0_i32_0 = arith.constant 0 : i32
    %c0_i32_1 = arith.constant 0 : i32
    return %c0_i32, %c0_i32_0 : i32, i32
  }
  func.func @transform_4(%arg0: i32) -> (i32, i32) {
    %c0_i32 = arith.constant 0 : i32
    %c0_i32_0 = arith.constant 0 : i32
    %c0_i32_1 = arith.constant 0 : i32
    return %c0_i32, %c0_i32_0 : i32, i32
  }
  func.func @transform_5(%arg0: i32) -> (i32, i32) {
    %c0_i32 = arith.constant 0 : i32
    %c0_i32_0 = arith.constant 0 : i32
    %c0_i32_1 = arith.constant 0 : i32
    return %c0_i32, %c0_i32_0 : i32, i32
  }
  func.func @transform_6(%arg0: i32) -> (i32, i32) {
    %c0_i32 = arith.constant 0 : i32
    %c0_i32_0 = arith.constant 0 : i32
    %c0_i32_1 = arith.constant 0 : i32
    return %c0_i32, %c0_i32_0 : i32, i32
  }
  func.func @transform_7(%arg0: i32) -> (i32, i32) {
    %c0_i32 = arith.constant 0 : i32
    %c0_i32_0 = arith.constant 0 : i32
    %c0_i32_1 = arith.constant 0 : i32
    return %c0_i32, %c0_i32_0 : i32, i32
  }
  func.func @transform_8(%arg0: i32) -> (i32, i32) {
    %c0_i32 = arith.constant 0 : i32
    %c0_i32_0 = arith.constant 0 : i32
    %c0_i32_1 = arith.constant 0 : i32
    return %c0_i32, %c0_i32_0 : i32, i32
  }
  func.func @transform_9(%arg0: i32) -> (i32, i32) {
    %c0_i32 = arith.constant 0 : i32
    %c0_i32_0 = arith.constant 0 : i32
    %c0_i32_1 = arith.constant 0 : i32
    return %c0_i32, %c0_i32_0 : i32, i32
  }
  func.func @transform_10(%arg0: i32) -> (i32, i32, i32) {
    %c0_i32 = arith.constant 0 : i32
    %c0_i32_0 = arith.constant 0 : i32
    %c0_i32_1 = arith.constant 0 : i32
    return %c0_i32, %arg0, %c0_i32_0 : i32, i32, i32
  }
}

</mosaic_0001>

<sc_bundles>
// kernel: kernel.4.cloned.1.call-start
scs
__scs_entry_jumppad:
0x0: {  	(pc) =	sbr.rel $0x88, $3  }
0x1: {  	(tag) =	ssettag $0x0;
	lr =	simm.s32 $0x1  }
0x2: {  	[smem:$0x3F96] =	sst lr;
	_ =	strace $0xD0000000  }
0x3: {  	_ = 	snop  }
0x4: {  	_ = 	snop  }
0x5: {  	_ = 	snop  }
0x6: {  	_ = 	snop  }
0x7: {  	_ = 	snop  }
__scs_overlays_trampoline_lowered:
0x8: {  	[smem:$0x3FA5] =	sst s0  }
0x9: {  	[smem:$0x3FA6] =	sst s1  }
0xa: {  	[smem:$0x3FA7] =	sst s2  }
0xb: {  	[smem:$0x3FA8] =	sst s3  }
0xc: {  	[smem:$0x3FA9] =	sst s4  }
0xd: {  	[smem:$0x3FAA] =	sst s5  }
0xe: {  	[smem:$0x3FAB] =	sst s6  }
0xf: {  	[smem:$0x3FAC] =	sst s7  }
0x10: {  	[smem:$0x3FAD] =	sst s8  }
0x11: {  	[smem:$0x3FAE] =	sst s9;
	s0 =	simm.s32 @!p0 $0x0  }
0x12: {  	s1 =	sld [smem:$0x3F94];
	s0 =	simm.s32 @p0 $0x1  }
0x13: {  	[smem:$0x3FAF] =	sst s0;
	s0 =	simm.s32 @!p1 $0x0  }
0x14: {  	s2 =	sld [smem:$0x3F93];
	s0 =	simm.s32 @p1 $0x1  }
0x15: {  	[smem:$0x3FB0] =	sst s0;
	s0 =	simm.s32 @!p2 $0x0  }
0x16: {  	s3 =	sld [smem:$0x3FDB];
	s0 =	simm.s32 @p2 $0x1  }
0x17: {  	s4 =	simm.s32 $0x1BF5;
	[smem:$0x3FB2] =	sst s0  }
0x18: {  	s0 =	sld [smem:$0x3F95];
	_ =	swait.ge [sflag:s4], $0x0  }
0x19: {  	s7 =	sld [smem:$0x3F96]  }
0x1a: {  	s8 =	sadd.s32 $0xFFFFE003, lr  }
0x1b: {  	s9 =	sadd.s32 $0xFFFFFEF7, lr;
	s5 =	simm.s32 $0xFFFFFFFF;
	p2 =	slt.u32 s8, $0xFFFFF086  }
0x1c: {  	p1 =	slt.u32 s9, $0xF7A;
	s5 =	simm.s32 @!p2 $0x0  }
0x1d: {  	s5 =	simm.s32 @p1 $0x1;
	p0 =	seq.s32 s7, s2  }
0x1e: {  	s7 =	smul.u32 @!p0 $0xF7A, s2;
	p2 =	seq.s32 @!p0 s5, $0x0  }
0x1f: {  	s9 =	smul.u32 $0xF7A, s1;
	s8 =	simm.s32 @!p0 $0x1BF5;
	p2 =	por !p2, p0  }
0x20: {  	[sflag:s8] =	ssyncset.s32 @!p0 $0xFFFFF086;
	s6 =	sadd.s32 @!p0 s3, s7;
	s7 =	simm.s32 @!p0 $0x108  }
0x21: {  	s3 =	sadd.s32 s3, s9;
	s6 =	sadd.s32 @!p0 $0x88, s6;
	s7 =	simm.s32 @p2 $0x1082  }
0x22: {  	[simem:s7], [sflag:s8] =	dma.local @!p0 [hbm:s6], $0xF7A  }
0x23: {  	s9 =	sor.u32 $0xD0000000, s2;
	s6 =	simm.s32 $0x108;
	_ =	swait.ge @!p0 [sflag:s8], $0x0  }
0x24: {  	s3 =	sadd.s32 $0x88, s3;
	s6 =	simm.s32 @!p1 $0x1082;
	[sflag:s4] =	ssyncset.s32 $0xFFFFF086  }
0x25: {  	[simem:s6], [sflag:s4] =	dma.local [hbm:s3], $0xF7A  }
0x26: {  	[smem:$0x3F96] =	sst s1;
	(tag) =	ssettag s2;
	_ =	strace s9  }
0x27: {  	s1 =	sld [smem:$0x3FA6]  }
0x28: {  	s2 =	sld [smem:$0x3FA7]  }
0x29: {  	s4 =	sld [smem:$0x3FA9]  }
0x2a: {  	p0 =	seq.s32 s5, $0x0;
	s5 =	sld [smem:$0x3FAA]  }
0x2b: {  	s6 =	sld [smem:$0x3FAB]  }
0x2c: {  	s7 =	sld [smem:$0x3FAC]  }
0x2d: {  	s3 =	simm.s32 $0x108;
	s8 =	sld [smem:$0x3FAD]  }
0x2e: {  	s3 =	simm.s32 @!p0 $0x1082;
	s9 =	sld [smem:$0x3FAE]  }
0x2f: {  	lr =	sadd.s32 s0, s3;
	s0 =	sld [smem:$0x3FA5]  }
0x30: {  	s3 =	sld [smem:$0x3FA8]  }
0x31: {  	[smem:$0x3FB1] =	sst s10  }
0x32: {  	s10 =	sld [smem:$0x3FAF];
	_ =	sdelay $0x3  }
0x33: {  	p0 =	seq.s32 s10, $0x1;
	s10 =	sld [smem:$0x3FB1];
	_ =	sdelay $0x3  }
0x34: {  	[smem:$0x3FB1] =	sst s10  }
0x35: {  	s10 =	sld [smem:$0x3FB0];
	_ =	sdelay $0x3  }
0x36: {  	p1 =	seq.s32 s10, $0x1;
	s10 =	sld [smem:$0x3FB1];
	_ =	sdelay $0x3  }
0x37: {  	[smem:$0x3FB1] =	sst s10  }
0x38: {  	s10 =	sld [smem:$0x3FB2]  }
0x39: {  	_ = 	snop;
	(pc) =	sbr.ind lr, $3  }
0x3a: {  	_ = 	snop  }
0x3b: {  	_ = 	snop  }
0x3c: {  	p2 =	seq.s32 s10, $0x1;
	s10 =	sld [smem:$0x3FB1]  }
0x3d: {  	_ =	shalt  }
0x3e: {  	_ =	shalt  }
0x3f: {  	_ =	shalt  }
0x40: {  	_ =	shalt  }
0x41: {  	_ =	shalt  }
0x42: {  	_ =	shalt  }
0x43: {  	_ =	shalt  }
0x44: {  	_ =	shalt  }
0x45: {  	_ =	shalt  }
0x46: {  	_ =	shalt  }
0x47: {  	_ =	shalt  }
0x48: {  	_ =	shalt  }
0x49: {  	_ =	shalt  }
0x4a: {  	_ =	shalt  }
0x4b: {  	_ =	shalt  }
0x4c: {  	_ =	shalt  }
0x4d: {  	_ =	shalt  }
0x4e: {  	_ =	shalt  }
0x4f: {  	_ =	shalt  }
0x50: {  	_ =	shalt  }
0x51: {  	_ =	shalt  }
0x52: {  	_ =	shalt  }
0x53: {  	_ =	shalt  }
0x54: {  	_ =	shalt  }
0x55: {  	_ =	shalt  }
0x56: {  	_ =	shalt  }
0x57: {  	_ =	shalt  }
0x58: {  	_ =	shalt  }
0x59: {  	_ =	shalt  }
0x5a: {  	_ =	shalt  }
0x5b: {  	_ =	shalt  }
0x5c: {  	_ =	shalt  }
0x5d: {  	_ =	shalt  }
0x5e: {  	_ =	shalt  }
0x5f: {  	_ =	shalt  }
0x60: {  	_ =	shalt  }
0x61: {  	_ =	shalt  }
0x62: {  	_ =	shalt  }
0x63: {  	_ =	shalt  }
0x64: {  	_ =	shalt  }
0x65: {  	_ =	shalt  }
0x66: {  	_ =	shalt  }
0x67: {  	_ =	shalt  }
0x68: {  	_ =	shalt  }
0x69: {  	_ =	shalt  }
0x6a: {  	_ =	shalt  }
0x6b: {  	_ =	shalt  }
0x6c: {  	_ =	shalt  }
0x6d: {  	_ =	shalt  }
0x6e: {  	_ =	shalt  }
0x6f: {  	_ =	shalt  }
0x70: {  	_ =	shalt  }
0x71: {  	_ =	shalt  }
0x72: {  	_ =	shalt  }
0x73: {  	_ =	shalt  }
0x74: {  	_ =	shalt  }
0x75: {  	_ =	shalt  }
0x76: {  	_ =	shalt  }
0x77: {  	_ =	shalt  }
0x78: {  	_ =	shalt  }
0x79: {  	_ =	shalt  }
0x7a: {  	_ =	shalt  }
0x7b: {  	_ =	shalt  }
0x7c: {  	_ =	shalt  }
0x7d: {  	_ =	shalt  }
0x7e: {  	_ =	shalt  }
0x7f: {  	_ =	shalt  }
0x80: {  	_ =	shalt  }
0x81: {  	_ =	shalt  }
0x82: {  	_ =	shalt  }
0x83: {  	_ =	shalt  }
0x84: {  	_ =	shalt  }
0x85: {  	_ =	shalt  }
0x86: {  	_ =	shalt  }
0x87: {  	_ =	shalt  }
.Lfunc_end0:
.L_simem_size_0:
called_computation_lowered:
.L_overlay_start_0:
0x88: {  	s2 =	sld [smem:$0x3FD9]  }
0x89: {  	s3 =	sld [smem:$0x3FFE];
	_ =	sdelay $0x1  }
0x8a: {  	s1 =	srdreg.scid  }
0x8b: {  	s0 =	sand.u32 $0x1, s1  }
0x8c: {  	s14 =	sshll.u32 s0, $0xA;
	s2 =	sadd.s32 s3, s2  }
0x8d: {  	s2 =	sadd.s32 s2, s14  }
0x8e: {  	[smem:$0x3FBD] =	sst s2  }
0x8f: {  	_ = 	snop  }
0x90: {  	s2 =	sld [smem:$0x3FD0];
	_ =	sdelay $0x2  }
0x91: {  	s15 =	simm.s32 $0xA;
	s4 =	simm.s32 $0x10  }
0x92: {  	[smem:s4], [sflag:s15] =	dma.local [hbm:s2], $0x1  }
0x93: {  	_ =	swait.eq [sflag:s15], $0x1  }
0x94: {  	[sflag:s15] =	ssyncset.done $0x0  }
0x95: {  	s16 =	sld [smem:$0x10];
	[sflag:s15] =	ssyncadd.s32 $0xFFFFFFFF  }
0x96: {  	s17 =	sld [smem:$0x11];
	(tm) =	ssettm $0x1  }
0x97: {  	s18 =	sld [smem:$0x3FFB];
	_ =	sdelay $0x3  }
0x98: {  	_ =	strace s18  }
0x99: {  	s4 =	sld [smem:$0x3FFC];
	_ =	sdelay $0x3  }
0x9a: {  	_ =	strace s4  }
0x9b: {  	s4 =	sld [smem:$0x3FFD];
	_ =	sdelay $0x3  }
0x9c: {  	_ =	strace s4  }
0x9d: {  	_ =	strace $0x8FFFFFFF  }
0x9e: {  	s19 =	sld [smem:$0x3FDB];
	_ =	sdelay $0x1  }
0x9f: {  	s5 =	simm.s32 $_scs_section_size  }
0xa0: {  	s6 =	simm.s32 $_size__tile_overlayer_lowered;
	s7 =	simm.s32 $_tile_overlayer_lowered  }
0xa1: {  	s22 =	simm.s32 $0x1BFF;
	s21 =	sshll.u32 s7, $0x1;
	s4 =	sadd.s32 s5, s19  }
0xa2: {  	s8 =	simm.s32 $0x0;
	s20 =	sshll.u32 s6, $0x1;
	s6 =	sadd.s32 s21, s4  }
0xa3: {  	[timem:s8], [sflag:s22] =	dma.local [hbm:s6], s20  }
0xa4: {  	_ =	swait.ge [sflag:s22], s20  }
0xa5: {  	s5 =	ssub.s32 $0x0, s20;
	[sflag:s22] =	ssyncset.done $0x0  }
0xa6: {  	[sflag:s22] =	ssyncadd.s32 s5;
	_ =	sdelay $0x1  }
0xa7: {  	s23 =	simm.s32 $0x1B8B  }
0xa8: {  	_ =	swait.ge [sflag:s23], $0x1  }
0xa9: {  	[sflag:s23] =	ssyncset.done $0x0  }
0xaa: {  	s25 =	simm.s32 $0x1B8E;
	s24 =	sld [smem:$0x3FFE];
	[sflag:s23] =	ssyncadd.s32 $0xFFFFFFFF  }
0xab: {  	s26 =	simm.s32 $execute0_lowered;
	[smem:$0x3FD2] =	sst s25  }
0xac: {  	s6 =	sshll.u32 s26, $0x1;
	_ =	strace $0x80000046;
	[dreg:$0x1] =	wrdreg $0xFFFFFFFF  }
0xad: {  	s28 =	simm.s32 $_size_execute0_lowered;
	s4 =	sadd.s32 s4, s6;
	[dreg:$0x0] =	wrdreg $0x0  }
0xae: {  	s6 =	sshll.u32 s28, $0x1;
	[dreg:$0x2] =	wrdreg s4  }
0xaf: {  	[dreg:$0x3] =	wrdreg s6  }
0xb0: {  	[dreg:$0x4] =	wrdreg $0xC0  }
0xb1: {  	_ =	task [dreg:s8], $0x5FFFF  }
0xb2: {  	[dreg:$0x1] =	wrdreg $0xFFFFFFFF  }
0xb3: {  	[dreg:$0x0] =	wrdreg $0x60  }
0xb4: {  	[dreg:$0x2] =	wrdreg s17  }
0xb5: {  	[dreg:$0x3] =	wrdreg s24  }
0xb6: {  	[dreg:$0x4] =	wrdreg s16  }
0xb7: {  	[dreg:$0x5] =	wrdreg $0x9  }
0xb8: {  	_ =	task.clear_ibuf [dreg:s8], $0x6FFFF;
	_ =	strace $0x90000046  }
0xb9: {  	s29 =	simm.s32 $0x9;
	_ =	strace $0x80000048  }
0xba: {  	_ =	swait.ge [sflag:s29], $0x1  }
0xbb: {  	[sflag:s29] =	ssyncadd.s32 $0xFFFFFFFF  }
0xbc: {  	_ =	strace $0x90000048  }
0xbd: {  	_ =	sfence  }
0xbe: {  	s30 =	sld [smem:$0x0];
	_ =	sdelay $0x2  }
0xbf: {  	s31 =	sshll.u32 s1, $0xD;
	s1 =	sshrl.u32 s1, $0x2  }
0xc0: {  	s3 =	sand.u32 $0x4000, s31;
	s1 =	sadd.s32 s1, s30  }
0xc1: {  	s0 =	sor.u32 s3, s0;
	s1 =	sshll.u32 s1, $0x11  }
0xc2: {  	s0 =	sor.u32 s1, s0  }
0xc3: {  	s0 =	sadd.s32 $0x8F2B, s0  }
0xc4: {  	[sflag:s0] =	ssyncadd.remote.s32 $0x1  }
0xc5: {  	_ =	sfence.sel $0xFFFF  }
0xc6: {  	[dreg:$0x0] =	wrdreg $0xFFFFFFFF;
	(pc) =	sbr.abs _section_cstart, $3  }
0xc7: {  	[dreg:$0x1] =	wrdreg $0xFFFFFFFF  }
0xc8: {  	_ =	task.clear_ibuf [dreg:s8], $0x2FFFF;
	_ =	strace $0x9FFFFFFF  }
0xc9: {  	(tm) =	ssettm $0x7FFFFFFF  }
tec
execute0_lowered:
.L_overlay_start_1:
0x0: {  	(tag) =	ssettag $0x1  }
0x1: {  	s1 =	rddreg [dreg:$0x0];
	s0 =	srdreg.scid  }
0x2: {  	s9 =	stileid.u32;
	s2 =	rddreg [dreg:$0x1]  }
0x3: {  	s5 =	rddreg [dreg:$0x2];
	s8 =	simm.s32 $0xFFFD8F00;
	s10 =	simm.s32 $0x2710  }
0x4: {  	s11 =	simm.s32 $0x50;
	s17 =	simm.s32 $0x1;
	s18 =	simm.s32 $0x2  }
0x5: {  	s19 =	simm.s32 $0x80;
	s20 =	simm.s32 $0x3;
	s21 =	simm.s32 $0x4  }
0x6: {  	s22 =	simm.s32 $0x0;
	s0 =	sand.u32 $0x1, s0;
	s3 =	sshll.u32 s9, $0x1  }
0x7: {  	s28 =	sadd.s32 $0xBC00, s2;
	s29 =	sadd.s32 $0x27CC00, s2;
	p0 =	sgt.u32 s9, $0x7  }
0x8: {  	s9 =	smul.u32 $0x4E20, s9;
	s4 =	sor.u32 s0, s3;
	s3 =	simm.s32 $0x0  }
0x9: {  	s7 =	ssub.s32 $0x2, s0;
	s8 =	simm.s32 @!p0 $0x0;
	s0 =	smul.u32 $0x2710, s0  }
0xa: {  	s4 =	smul.u32 $0x2710, s4;
	[smem:$0x7FF] =	sst s3;
	s30 =	sshrl.u32 s7, $0x1  }
0xb: {  	s31 =	sadd.s32 s9, s8;
	_ =	strace $0x80000047;
	[dreg:$0x4] =	wrdreg s28  }
0xc: {  	s8 =	simm.s32 $0x40;
	s9 =	simm.s32 $0x5;
	[dreg:$0x5] =	wrdreg s29  }
0xd: {  	s7 =	ssub.s32 s7, s30;
	s0 =	sadd.s32 s0, s31;
	s6 =	sshrl.u32 s4, $0x3  }
0xe: {  	s8 =	simm.s32 @!p0 $0x7;
	s7 =	smax.u32 s7, $0x1;
	s2 =	sadd.s32 s6, s2  }
0xf: {  	s0 =	sshll.u32 s0, $0x7;
	s5 =	sadd.s32 s5, s6;
	s2 =	sadd.s32 $0x1E00, s2  }
0x10: {  	s6 =	simm.s32 $0x40;
	s8 =	sor.u32 s0, s8;
	[dreg:$0x6] =	wrdreg s2  }
.LBB2_1:
0x11: {  	s0 =	rddreg [dreg:$0x6]  }
0x12: {  	[tilespmem:s3], [sflag:$0x5] =	stream.linear.gather [hbm4b:s0+s3], $0x2710, $0x38;
	[tilespmem:$0xC620] =	vst v63  }
0x13: {  	_ =	swait.ge [sflag:s9], $0x2710  }
0x14: {  	s24 =	simm.s32 $0x0;
	[sflag:s9] =	ssyncset.done $0x0  }
0x15: {  	s15 =	simm.s32 $0x4E20;
	s0 =	smul.u32 $0xAB, s24;
	[sflag:s9] =	ssyncadd.s32 $0xFFFFD8F0  }
0x16: {  	[tilespmem:s10], [sflag:$0x5] =	stream.linear.gather [hbm4b:s5+s3], $0x2710, $0x38;
	[tilespmem:$0xC620] =	vst v63  }
0x17: {  	s16 =	simm.s32 $0x8A20;
	s23 =	simm.s32 $0x6220;
	_ =	swait.ge [sflag:s9], $0x2710  }
0x18: {  	s2 =	simm.s32 $0x2760;
	s0 =	sshrl.u32 s0, $0x9;
	[sflag:s9] =	ssyncset.done $0x0  }
0x19: {  	s4 =	simm.s32 $0x9E20;
	s0 =	sand.u32 $0x7F, s0;
	[sflag:s9] =	ssyncadd.s32 $0xFFFFD8F0  }
0x1a: {  	[tilespmem:s15], [sflag:$0x1] =	stream.indirect.gather [hbm4b:s1+s11], $0x40, s3, s11, $0xb8;
	[tilespmem:$0xC620] =	vst v63  }
0x1b: {  	s29 =	simm.s32 $0xA0;
	s28 =	simm.s32 $0x27B0;
	s0 =	smul.u32 $0x3, s0  }
0x1c: {  	[tilespmem:s16], [sflag:$0x2] =	stream.indirect.gather [hbm4b:s1+s11], $0x40, s10, s11, $0xb8;
	[tilespmem:$0xC620] =	vst v63  }
0x1d: {  	p0 =	por $0x0, $0x0;
	s30 =	simm.s32 $0x4;
	s0 =	ssub.s32 $0x0, s0  }
0x1e: {  	[tilespmem:s23], [sflag:$0x1] =	stream.indirect.gather [hbm4b:s1+s11], $0x40, s11, s11, $0xb8;
	[tilespmem:$0xC620] =	vst v63  }
0x1f: {  	s26 =	sadd.s32 $0x2800, s8;
	s14 =	sshrl.u32 s8, $0x3;
	s0 =	sand.u32 $0xFF, s0  }
0x20: {  	[tilespmem:s4], [sflag:$0x2] =	stream.indirect.gather [hbm4b:s1+s11], $0x40, s2, s11, $0xb8;
	[tilespmem:$0xC620] =	vst v63  }
0x21: {  	s31 =	simm.s32 $0x1;
	s13 =	smul.u32 $0x1400, s0;
	_ =	swait.ge [sflag:s17], $0x1400  }
0x22: {  	p1 =	por @!p0 $0x1, $0x1;
	s2 =	smul.u32 @!p0 $0xAB, s18;
	[sflag:s17] =	ssyncset.done $0x0  }
0x23: {  	s24 =	simm.s32 $0x3;
	p1 =	por p1, p0;
	[sflag:s17] =	ssyncadd.s32 $0xFFFFEC00  }
0x24: {  	s12 =	sadd.s32 $0x4E20, s13;
	s2 =	sshrl.u32 @!p0 s2, $0x9;
	_ =	swait.ge [sflag:s18], $0x1400  }
0x25: {  	s23 =	simm.s32 $0x2800;
	s0 =	sand.u32 @!p0 $0x7F, s2;
	s25 =	rddreg [dreg:$0x4]  }
0x26: {  	s0 =	smul.u32 @!p0 $0x3, s0;
	[sflag:s18] =	ssyncset.done $0x0;
	s15 =	rddreg [dreg:$0x5]  }
0x27: {  	[sflag:s18] =	ssyncadd.s32 $0xFFFFEC00;
	s2 =	sadd.s32 s25, s14;
	s25 =	simm.s32 $0xF0  }
0x28: {  	[hbm4b:s2+s6] =	stream.strided.scatter [tilespmem:s12], [sflag:$0x3], $0x1400, s19, s6, $0x38;
	[tilespmem:$0xC620] =	vst v63  }
0x29: {  	s14 =	sadd.s32 s15, s14;
	s2 =	ssub.s32 @!p0 $0x2, s0;
	s0 =	smul.u32 $0xAB, s31  }
0x2a: {  	s12 =	sand.u32 @!p0 $0xFF, s2;
	s2 =	sadd.s32 $0x8A20, s13;
	s13 =	simm.s32 @!p1 $0x3  }
.LBB2_2:
0x2b: {  	[hbm4b:s14+s6] =	stream.strided.scatter [tilespmem:s2], [sflag:$0x4], $0x1400, s19, s6, $0x38;
	[tilespmem:$0xC620] =	vst v63  }
0x2c: {  	s2 =	smov.u32 s24;
	s24 =	smov.u32 s30;
	s16 =	smov.u32 s26  }
0x2d: {  	p3 =	por p0, p0;
	s15 =	simm.s32 @!p1 $0x4;
	s30 =	sadd.s32 $0x1, s30  }
0x2e: {  	p0 =	sgt.u32 s31, $0x7A;
	s26 =	sadd.s32 $0x2800, s26;
	s0 =	sshrl.u32 s0, $0x9  }
0x2f: {  	_ =	swait.ge @!p1 [sflag:s13], $0x1400;
	s12 =	smul.u32 @!p3 $0x1400, s12;
	s0 =	sand.u32 $0x7F, s0  }
0x30: {  	p2 =	sne.s32 s30, $0x7F;
	[sflag:s13] =	ssyncset.done @!p1 $0x0;
	s0 =	smul.u32 $0x3, s0  }
0x31: {  	s14 =	sshrl.u32 s16, $0x3;
	[sflag:s13] =	ssyncadd.s32 @!p1 $0xFFFFEC00;
	s13 =	sadd.s32 @!p3 $0x4E20, s12  }
0x32: {  	s12 =	sadd.s32 @!p3 $0x8A20, s12;
	_ =	swait.ge @!p1 [sflag:s15], $0x1400;
	s0 =	ssub.s32 s31, s0  }
0x33: {  	[sflag:s15] =	ssyncset.done @!p1 $0x0;
	s31 =	sadd.s32 $0xFFFFFFFE, s24;
	s0 =	sand.u32 $0xFF, s0  }
0x34: {  	[sflag:s15] =	ssyncadd.s32 @!p1 $0xFFFFEC00;
	s15 =	simm.s32 @!p3 $0x50;
	p1 =	seq.s32 @!p0 s2, $0x2  }
0x35: {  	[tilespmem:s13], [sflag:$0x1] =	stream.indirect.gather @!p3 [hbm4b:s1+s15], $0x40, s29, s15, $0xb8;
	[tilespmem:$0xC620] =	vst v63  }
0x36: {  	s29 =	smov.u32 s25;
	s13 =	smul.u32 @!p0 $0xAB, s2;
	s25 =	sadd.s32 $0x50, s25  }
0x37: {  	[tilespmem:s12], [sflag:$0x2] =	stream.indirect.gather @!p3 [hbm4b:s1+s15], $0x40, s28, s15, $0xb8;
	[tilespmem:$0xC620] =	vst v63  }
0x38: {  	p1 =	por p1, p0;
	s12 =	sshrl.u32 @!p0 s13, $0x9;
	_ =	swait.ge [sflag:s17], $0x1400  }
0x39: {  	s13 =	smul.u32 $0x1400, s0;
	s0 =	sand.u32 @!p0 $0x7F, s12;
	[sflag:s17] =	ssyncset.done $0x0  }
0x3a: {  	s28 =	smov.u32 s23;
	s12 =	smul.u32 @!p0 $0x3, s0;
	[sflag:s17] =	ssyncadd.s32 $0xFFFFEC00  }
0x3b: {  	s23 =	sadd.s32 $0x50, s23;
	s0 =	smul.u32 $0xAB, s31;
	_ =	swait.ge [sflag:s18], $0x1400  }
.Ltmp0:
0x3c: {  	s16 =	sadd.s32 $0x4E20, s13;
	s15 =	rddreg [dreg:$0x4];
	(pc) =	sbr.rel @p2 .LBB2_2-.Ltmp0, $4  }
0x3d: {  	s2 =	ssub.s32 @!p0 s2, s12;
	[sflag:s18] =	ssyncset.done $0x0;
	s4 =	rddreg [dreg:$0x5]  }
0x3e: {  	s12 =	sand.u32 @!p0 $0xFF, s2;
	s2 =	sadd.s32 $0x8A20, s13;
	s13 =	simm.s32 @!p1 $0x3  }
0x3f: {  	[sflag:s18] =	ssyncadd.s32 $0xFFFFEC00;
	s15 =	sadd.s32 s15, s14;
	s14 =	sadd.s32 s4, s14  }
0x40: {  	[hbm4b:s15+s6] =	stream.strided.scatter [tilespmem:s16], [sflag:$0x3], $0x1400, s19, s6, $0x38;
	[tilespmem:$0xC620] =	vst v63  }
0x41: {  	[hbm4b:s14+s6] =	stream.strided.scatter [tilespmem:s2], [sflag:$0x4], $0x1400, s19, s6, $0x38;
	[tilespmem:$0xC620] =	vst v63  }
0x42: {  	p0 =	por p0, p0;
	s0 =	sshrl.u32 s0, $0x9;
	_ =	swait.ge @!p1 [sflag:s13], $0x1400  }
0x43: {  	s4 =	smul.u32 @!p0 $0x1400, s12;
	s0 =	sand.u32 $0x7F, s0;
	[sflag:s13] =	ssyncset.done @!p1 $0x0  }
0x44: {  	s2 =	simm.s32 @!p1 $0x4;
	s0 =	smul.u32 $0x3, s0;
	[sflag:s13] =	ssyncadd.s32 @!p1 $0xFFFFEC00  }
0x45: {  	_ =	swait.ge @!p1 [sflag:s2], $0x1400  }
0x46: {  	s12 =	sadd.s32 @!p0 $0x4E20, s4;
	s0 =	ssub.s32 s31, s0;
	[sflag:s2] =	ssyncset.done @!p1 $0x0  }
0x47: {  	s0 =	sand.u32 $0xFF, s0;
	[sflag:s2] =	ssyncadd.s32 @!p1 $0xFFFFEC00;
	s2 =	simm.s32 @!p0 $0x50  }
0x48: {  	[tilespmem:s12], [sflag:$0x1] =	stream.indirect.gather @!p0 [hbm4b:s1+s2], $0x40, s29, s2, $0xb8;
	[tilespmem:$0xC620] =	vst v63  }
0x49: {  	s4 =	sadd.s32 @!p0 $0x8A20, s4;
	s0 =	smul.u32 $0x1400, s0  }
0x4a: {  	[tilespmem:s4], [sflag:$0x2] =	stream.indirect.gather @!p0 [hbm4b:s1+s2], $0x40, s28, s2, $0xb8;
	[tilespmem:$0xC620] =	vst v63  }
0x4b: {  	s30 =	sadd.s32 $0x4E20, s0;
	p0 =	sgt.u32 s31, $0x7A;
	_ =	swait.ge [sflag:s17], $0x1400  }
0x4c: {  	s0 =	sadd.s32 $0x8A20, s0;
	s2 =	smul.u32 @!p0 $0xAB, s24;
	[sflag:s17] =	ssyncset.done $0x0  }
0x4d: {  	s28 =	sshrl.u32 s26, $0x3;
	p1 =	seq.s32 @!p0 s24, $0x2;
	[sflag:s17] =	ssyncadd.s32 $0xFFFFEC00  }
0x4e: {  	p1 =	por p1, p0;
	s2 =	sshrl.u32 @!p0 s2, $0x9;
	_ =	swait.ge [sflag:s18], $0x1400  }
0x4f: {  	s2 =	sand.u32 @!p0 $0x7F, s2;
	s16 =	rddreg [dreg:$0x4];
	[sflag:s18] =	ssyncset.done $0x0  }
0x50: {  	s29 =	rddreg [dreg:$0x5];
	[sflag:s18] =	ssyncadd.s32 $0xFFFFEC00;
	s4 =	sadd.s32 s16, s28  }
0x51: {  	[hbm4b:s4+s6] =	stream.strided.scatter [tilespmem:s30], [sflag:$0x3], $0x1400, s19, s6, $0x38;
	[tilespmem:$0xC620] =	vst v63  }
0x52: {  	s12 =	simm.s32 @!p1 $0x3;
	s2 =	smul.u32 @!p0 $0x3, s2;
	s31 =	sadd.s32 s29, s28  }
0x53: {  	[hbm4b:s31+s6] =	stream.strided.scatter [tilespmem:s0], [sflag:$0x4], $0x1400, s19, s6, $0x38;
	[tilespmem:$0xC620] =	vst v63  }
0x54: {  	_ =	swait.ge @!p1 [sflag:s12], $0x1400  }
0x55: {  	s0 =	ssub.s32 @!p0 s24, s2;
	s2 =	simm.s32 @!p1 $0x4;
	[sflag:s12] =	ssyncset.done @!p1 $0x0  }
0x56: {  	s0 =	sand.u32 @!p0 $0xFF, s0;
	p0 =	por p0, p0;
	[sflag:s12] =	ssyncadd.s32 @!p1 $0xFFFFEC00  }
0x57: {  	s0 =	smul.u32 @!p0 $0x1400, s0;
	_ =	swait.ge @!p1 [sflag:s2], $0x1400  }
0x58: {  	[sflag:s2] =	ssyncset.done @!p1 $0x0  }
0x59: {  	s4 =	sadd.s32 @!p0 $0x4E20, s0;
	[sflag:s2] =	ssyncadd.s32 @!p1 $0xFFFFEC00;
	s2 =	simm.s32 @!p0 $0x50  }
0x5a: {  	[tilespmem:s4], [sflag:$0x1] =	stream.indirect.gather @!p0 [hbm4b:s1+s2], $0x40, s25, s2, $0xb8;
	[tilespmem:$0xC620] =	vst v63  }
0x5b: {  	s0 =	sadd.s32 @!p0 $0x8A20, s0  }
0x5c: {  	[tilespmem:s0], [sflag:$0x2] =	stream.indirect.gather @!p0 [hbm4b:s1+s2], $0x40, s23, s2, $0xb8;
	[tilespmem:$0xC620] =	vst v63  }
0x5d: {  	_ =	swait.ge [sflag:s20], $0x1400  }
0x5e: {  	[sflag:s20] =	ssyncset.done $0x0  }
0x5f: {  	[sflag:s20] =	ssyncadd.s32 $0xFFFFEC00  }
0x60: {  	_ =	swait.ge [sflag:s21], $0x1400  }
0x61: {  	[sflag:s21] =	ssyncset.done $0x0  }
0x62: {  	s22 =	sadd.s32 $0x1, s22;
	[sflag:s21] =	ssyncadd.s32 $0xFFFFEC00  }
0x63: {  	p0 =	sne.s32 s22, s7;
	_ =	swait.ge [sflag:s20], $0x1400  }
.Ltmp1:
0x64: {  	[sflag:s20] =	ssyncset.done $0x0;
	(pc) =	sbr.rel @p0 .LBB2_1-.Ltmp1, $4  }
0x65: {  	[sflag:s20] =	ssyncadd.s32 $0xFFFFEC00  }
0x66: {  	_ =	swait.ge [sflag:s21], $0x1400  }
0x67: {  	[sflag:s21] =	ssyncset.done $0x0  }
0x68: {  	[sflag:s21] =	ssyncadd.s32 $0xFFFFEC00  }
0x69: {  	_ =	sfence.sel $0x180000  }
0x6a: {  	[bflag:$0x0] =	sbarrier.arrive $0xFFFF  }
0x6b: {  	_ =	strace $0x90000047  }
0x6c: {  	s0 =	stileid.u32;
	[bflag:$0x2] =	sbarrier.arrive $0xFFFF  }
0x6d: {  	p0 =	sne.s32 s0, $0x0;
	s0 =	rddreg [dreg:$0x3]  }
0x6e: {  	s0 =	sadd.s32 @!p0 $0x100000, s0  }
0x6f: {  	[sflag:s0] =	ssyncadd.tile.s32 @!p0 $0x1;
	_ =	shalt  }
.Lfunc_end2:
_tile_overlayer_lowered:
.L_overlay_start_2:
0x70: {  	(tag) =	ssettag $0x2  }
0x71: {  	s0 =	rddreg [dreg:$0x0];
	s2 =	stileid.u32  }
0x72: {  	s1 =	rddreg [dreg:$0x1];
	p0 =	sne.s32 s2, $0x0  }
0x73: {  	s3 =	rddreg [dreg:$0x2];
	[bflag:$0x3] =	sbarrier.arrive $0xFFFF;
	s2 =	simm.s32 @!p0 $0x1C05  }
0x74: {  	[timem:s3], [sflag:s2] =	dma.local @!p0 [hbm:s0], s1  }
0x75: {  	s0 =	simm.s32 @!p0 $0x5  }
0x76: {  	_ =	swait.ge @!p0 [sflag:s0], s1  }
0x77: {  	s1 =	ssub.s32 @!p0 $0x0, s1;
	[sflag:s0] =	ssyncset.done @!p0 $0x0  }
0x78: {  	[sflag:s0] =	ssyncadd.s32 @!p0 s1  }
0x79: {  	[bflag:$0x3] =	sbarrier.arrive $0xFFFF  }
0x7a: {  	_ =	shalt  }

</sc_bundles>
